<compile_context>
chip_gen: v7x
topology: tpu7x:2x2x1
jax: 0.10.2.dev20260603
libtpu: 0.0.44.dev20260713+nightly
codegen_flags: <defaults>
</compile_context>

<pallas_src>
import jax
import jax.numpy as jnp
from jax import lax
from jax.experimental import pallas as pl
from jax.experimental.pallas import tpu as pltpu
from jax.experimental.pallas import tpu_sc as plsc

N = 10000
E = 320000
NC, NS = 2, 16
NW = NC * NS
LANE = 128
MROW = 6
NROWS = E // LANE
RPW = 78
NMACRO = RPW // MROW
XBASE = NW * RPW
NT = 10240
RPS = NT // NS
W16 = 16



def _front_body(x_ref, eat_ref, wn_ref, bn_ref, wcb_ref, we_ref, brow_ref,
                np_ref, em_ref):
    t = jnp.maximum(jnp.dot(x_ref[...], wn_ref[...],
                            preferred_element_type=jnp.float32) + bn_ref[...], 0.0)
    np_ref[...] = jnp.dot(t, wcb_ref[...], preferred_element_type=jnp.float32)
    em = lax.dot_general(eat_ref[...], we_ref[...],
                         (((0,), (0,)), ((), ())),
                         preferred_element_type=jnp.float32) + brow_ref[...]
    c8 = em.shape[0] // 8
    em_ref[...] = jnp.concatenate([em[k * c8:(k + 1) * c8, :]
                                   for k in range(8)], axis=1)


_CH = E // 10


def _front(x, eat, wn, bn_r, wcb, we16, brow):
    return pl.pallas_call(
        _front_body,
        grid=(10,),
        in_specs=[pl.BlockSpec((1000, 128), lambda i: (i, 0)),
                  pl.BlockSpec((16, _CH), lambda i: (0, i)),
                  pl.BlockSpec((128, 16), lambda i: (0, 0)),
                  pl.BlockSpec((1, 16), lambda i: (0, 0)),
                  pl.BlockSpec((16, 16), lambda i: (0, 0)),
                  pl.BlockSpec((16, 16), lambda i: (0, 0)),
                  pl.BlockSpec((1, 16), lambda i: (0, 0))],
        out_specs=[pl.BlockSpec((1000, 16), lambda i: (i, 0)),
                   pl.BlockSpec((_CH // 8, 128), lambda i: (i, 0))],
        out_shape=[jax.ShapeDtypeStruct((N, W16), jnp.float32),
                   jax.ShapeDtypeStruct((E * W16 // 128, 128), jnp.float32)],
    )(x, eat, wn, bn_r, wcb, we16, brow)


def _mid_body(a0, a1, npart, wct, o):
    acc = a0[...] + a1[...]
    norm = lax.rsqrt(jnp.maximum(acc[:, 8:9], 1.0))
    eh = jnp.maximum(acc, 0.0)
    g = (jnp.dot(eh, wct[...], preferred_element_type=jnp.float32)
         + npart[...]) * norm
    col = lax.broadcasted_iota(jnp.int32, g.shape, 1)
    o[...] = jnp.where(col == 15, 1.0, g)


def _mid(acc0, acc1, npart, wct):
    spec = pl.BlockSpec((1000, 16), lambda i: (i, 0))
    return pl.pallas_call(
        _mid_body,
        grid=(10,),
        in_specs=[spec, spec, spec, pl.BlockSpec((16, 16), lambda i: (0, 0))],
        out_specs=spec,
        out_shape=jax.ShapeDtypeStruct((N, W16), jnp.float32),
    )(acc0, acc1, npart, wct)


def _head_body(g0, g1, bc_r, wl_r, bl_r, wo_r, bo_r, o):
    deg = g0[:, 15:16] + g1[:, 15:16]
    norm = lax.rsqrt(jnp.maximum(deg, 1.0))
    agg = (g0[...] + g1[...]) * norm
    h2 = jnp.maximum(agg + bc_r[...], 0.0)
    h3 = jnp.maximum(jnp.dot(h2, wl_r[...],
                             preferred_element_type=jnp.float32) + bl_r[...], 0.0)
    o[...] = jnp.dot(h3, wo_r[...], preferred_element_type=jnp.float32) + bo_r[...]


def _head(agg0, agg1, bc_r, wl_r, bl_r, wo_r, bo_r):
    spec = pl.BlockSpec((1000, 16), lambda i: (i, 0))
    b16spec = pl.BlockSpec((1, 16), lambda i: (0, 0))
    return pl.pallas_call(
        _head_body,
        grid=(10,),
        in_specs=[spec, spec, b16spec,
                  pl.BlockSpec((16, 16), lambda i: (0, 0)), b16spec,
                  pl.BlockSpec((16, 2), lambda i: (0, 0)),
                  pl.BlockSpec((1, 2), lambda i: (0, 0))],
        out_specs=pl.BlockSpec((1000, 2), lambda i: (i, 0)),
        out_shape=jax.ShapeDtypeStruct((N, 2), jnp.float32),
    )(agg0, agg1, bc_r, wl_r, bl_r, wo_r, bo_r)



_MESH = plsc.VectorSubcoreMesh(core_axis_name="c", subcore_axis_name="s",
                               num_cores=NC, num_subcores=NS)


def _sc_scatter_body(em_hbm, dst_hbm, zero_hbm, out_hbm,
                     idx_v, rows_v, table, sem2):
    c = lax.axis_index("c")
    s = lax.axis_index("s")
    w = c * NS + s

    @pl.when(s == 0)
    def _init():
        pltpu.sync_copy(zero_hbm, table)

    plsc.subcore_barrier()

    def macro(m, carry):
        r0 = w * RPW + m * MROW
        pltpu.sync_copy(dst_hbm.at[pl.ds(r0, MROW)], idx_v)
        pltpu.sync_copy(em_hbm.at[pl.ds(r0 * LANE, MROW * LANE)], rows_v)
        puts = []
        for j in range(MROW):
            puts.append(pltpu.async_copy(rows_v.at[pl.ds(j * LANE, LANE)],
                                         table.at[idx_v.at[j]], sem2,
                                         add=True))
        for p in puts:
            p.wait()
        return carry

    lax.fori_loop(0, NMACRO, macro, 0)

    @pl.when(w < NROWS - XBASE)
    def _leftover():
        r0 = XBASE + w
        pltpu.sync_copy(dst_hbm.at[pl.ds(r0, 1)], idx_v.at[pl.ds(0, 1)])
        pltpu.sync_copy(em_hbm.at[pl.ds(r0 * LANE, LANE)],
                        rows_v.at[pl.ds(0, LANE)])
        pltpu.async_copy(rows_v.at[pl.ds(0, LANE)],
                         table.at[idx_v.at[0]], sem2, add=True).wait()

    plsc.subcore_barrier()
    pltpu.sync_copy(table.at[pl.ds(s * RPS, RPS)],
                    out_hbm.at[c].at[pl.ds(s * RPS, RPS)])


_sc_scatter = pl.kernel(
    _sc_scatter_body,
    out_type=jax.ShapeDtypeStruct((NC, NT, W16), jnp.float32),
    mesh=_MESH,
    scratch_types=[pltpu.VMEM((MROW, LANE), jnp.int32),
                   pltpu.VMEM((MROW * LANE, W16), jnp.float32),
                   pltpu.VMEM_SHARED((NT, W16), jnp.float32),
                   pltpu.SemaphoreType.DMA],
    compiler_params=pltpu.CompilerParams(use_tc_tiling_on_sc=False),
)


def _sc_gs_body(g_hbm, src_hbm, dst_hbm, zero_hbm, out_hbm,
                sidx_v, didx_v, rows_v, tg, table, sem, sem2):
    c = lax.axis_index("c")
    s = lax.axis_index("s")
    w = c * NS + s

    @pl.when(s == 0)
    def _init():
        pltpu.sync_copy(zero_hbm, table)

    @pl.when(s < 10)
    def _stage():
        pltpu.sync_copy(g_hbm.at[pl.ds(s * 1000, 1000)],
                        tg.at[pl.ds(s * 1000, 1000)])

    plsc.subcore_barrier()

    def macro(m, carry):
        r0 = w * RPW + m * MROW
        pltpu.sync_copy(src_hbm.at[pl.ds(r0, MROW)], sidx_v)
        pltpu.sync_copy(dst_hbm.at[pl.ds(r0, MROW)], didx_v)
        gets = [pltpu.async_copy(tg.at[sidx_v.at[j]],
                                 rows_v.at[pl.ds(j * LANE, LANE)], sem)
                for j in range(MROW)]
        puts = []
        for j in range(MROW):
            gets[j].wait()
            puts.append(pltpu.async_copy(rows_v.at[pl.ds(j * LANE, LANE)],
                                         table.at[didx_v.at[j]], sem2,
                                         add=True))
        for p in puts:
            p.wait()
        return carry

    lax.fori_loop(0, NMACRO, macro, 0)

    @pl.when(w < NROWS - XBASE)
    def _leftover():
        r0 = XBASE + w
        pltpu.sync_copy(src_hbm.at[pl.ds(r0, 1)], sidx_v.at[pl.ds(0, 1)])
        pltpu.sync_copy(dst_hbm.at[pl.ds(r0, 1)], didx_v.at[pl.ds(0, 1)])
        pltpu.async_copy(tg.at[sidx_v.at[0]],
                         rows_v.at[pl.ds(0, LANE)], sem).wait()
        pltpu.async_copy(rows_v.at[pl.ds(0, LANE)],
                         table.at[didx_v.at[0]], sem2, add=True).wait()

    plsc.subcore_barrier()
    pltpu.sync_copy(table.at[pl.ds(s * RPS, RPS)],
                    out_hbm.at[c].at[pl.ds(s * RPS, RPS)])


_sc_gather_scatter = pl.kernel(
    _sc_gs_body,
    out_type=jax.ShapeDtypeStruct((NC, NT, W16), jnp.float32),
    mesh=_MESH,
    scratch_types=[pltpu.VMEM((MROW, LANE), jnp.int32),
                   pltpu.VMEM((MROW, LANE), jnp.int32),
                   pltpu.VMEM((MROW * LANE, W16), jnp.float32),
                   pltpu.VMEM_SHARED((N, W16), jnp.float32),
                   pltpu.VMEM_SHARED((NT, W16), jnp.float32),
                   pltpu.SemaphoreType.DMA,
                   pltpu.SemaphoreType.DMA],
    compiler_params=pltpu.CompilerParams(use_tc_tiling_on_sc=False),
)



def kernel(x, edge_index, edge_attr, We, be, Wn, bn, Wc, bc, Wl, bl, Wo, bo):
    f32 = jnp.float32
    src2 = edge_index[0].astype(jnp.int32).reshape(NROWS, LANE)
    dst = edge_index[1].astype(jnp.int32)
    dst2 = dst.reshape(NROWS, LANE)
    dst2p = dst.reshape(10, 8, _CH // 8).swapaxes(1, 2).reshape(NROWS, LANE)

    we16 = jnp.zeros((16, 16), f32).at[:, :8].set(We)
    brow = jnp.concatenate([be, jnp.ones((1,), f32),
                            jnp.zeros((7,), f32)]).reshape(1, 16)
    wct = jnp.zeros((16, 16), f32).at[:8, :10].set(Wc[:8])
    wcb = jnp.zeros((16, 16), f32).at[:, :10].set(Wc[8:])
    bn_r = bn.reshape(1, 16)
    bc_r = jnp.zeros((1, 16), f32).at[0, :10].set(bc)
    wl_r = jnp.zeros((16, 16), f32).at[:10, :10].set(Wl)
    bl_r = jnp.zeros((1, 16), f32).at[0, :10].set(bl)
    wo_r = jnp.zeros((16, 2), f32).at[:10].set(Wo)
    bo_r = bo.reshape(1, 2)
    zeros_t = jnp.zeros((NT, W16), f32)

    npart, em128 = _front(x, jnp.transpose(edge_attr), Wn, bn_r, wcb,
                          we16, brow)
    accp = _sc_scatter(em128.reshape(E, W16), dst2p, zeros_t)
    gsc = _mid(accp[0, :N], accp[1, :N], npart, wct)
    aggp = _sc_gather_scatter(gsc, src2, dst2, zeros_t)
    return _head(aggp[0, :N], aggp[1, :N], bc_r, wl_r, bl_r, wo_r, bo_r)

# --- scband reference (transcript-rebuilt; emitter-appended) ---
"""Pipeline reference for scband-net-35089882808747 (READ-ONLY COPY).

The authoritative reference and input builder live on the scoring server;
editing this copy changes nothing except your own understanding.
"""

import jax, jax.numpy as jnp
import numpy as np

N_NODES = 10000
N_EDGES = 320000
D_FEAT = 128
D_EDGE = 16
NODE_OUT = 16
EDGE_OUT = 8
CONV_H = 10
LIN_H = 10
N_CLASSES = 2


def setup_inputs(seed: int = 0) -> dict:
    key = jax.random.key(seed)
    ks = jax.random.split(key, 16)
    x = jax.random.normal(ks[0], (N_NODES, D_FEAT), dtype=jnp.float32)
    edge_index = jax.random.randint(ks[1], (2, N_EDGES), 0, N_NODES, dtype=jnp.int64 if jax.config.jax_enable_x64 else jnp.int32)
    edge_attr = jax.random.normal(ks[2], (N_EDGES, D_EDGE), dtype=jnp.float32)
    def glorot(k, shape):
        fan_in, fan_out = shape[0], shape[1]
        lim = (6.0 / (fan_in + fan_out)) ** 0.5
        return jax.random.uniform(k, shape, dtype=jnp.float32, minval=-lim, maxval=lim)
    We = glorot(ks[3], (D_EDGE, EDGE_OUT)); be = jnp.zeros((EDGE_OUT,), jnp.float32)
    Wn = glorot(ks[4], (D_FEAT, NODE_OUT)); bn = jnp.zeros((NODE_OUT,), jnp.float32)
    Wc = glorot(ks[5], (NODE_OUT + EDGE_OUT, CONV_H)); bc = jnp.zeros((CONV_H,), jnp.float32)
    Wl = glorot(ks[6], (CONV_H, LIN_H)); bl = jnp.zeros((LIN_H,), jnp.float32)
    Wo = glorot(ks[7], (LIN_H, N_CLASSES)); bo = jnp.zeros((N_CLASSES,), jnp.float32)
    return {"x": x, "edge_index": edge_index, "edge_attr": edge_attr,
            "We": We, "be": be, "Wn": Wn, "bn": bn, "Wc": Wc, "bc": bc,
            "Wl": Wl, "bl": bl, "Wo": Wo, "bo": bo}


def _graph_conv(h, W, b, src, dst, n):
    # DGL-style symmetric-norm GraphConv: D^-1/2 A D^-1/2 h W + b
    deg = jnp.zeros((n,), jnp.float32).at[dst].add(1.0)
    norm = jax.lax.rsqrt(jnp.maximum(deg, 1.0))
    h = h * norm[:, None]
    agg = jnp.zeros((n, h.shape[1]), jnp.float32).at[dst].add(h[src])
    agg = agg * norm[:, None]
    return agg @ W + b


def reference(x, edge_index, edge_attr, We, be, Wn, bn, Wc, bc, Wl, bl, Wo, bo):
    src = edge_index[0]
    dst = edge_index[1]
    n = x.shape[0]
    # EdgeLayer: linear on edge features, scatter-add to dst nodes -> [N, EDGE_OUT]
    em = edge_attr @ We + be
    edge_h = jnp.zeros((n, em.shape[1]), jnp.float32).at[dst].add(em)
    edge_h = jax.nn.relu(edge_h)
    # NodeEmbeddingLayer: linear on node features -> [N, NODE_OUT]
    node_h = jax.nn.relu(x @ Wn + bn)
    h = jnp.concatenate((edge_h, node_h), axis=1)
    # hidden conv layers (dropout_p=0.0 -> identity)
    h = jax.nn.relu(_graph_conv(h, Wc, bc, src, dst, n))
    # hidden linear layers
    h = jax.nn.relu(h @ Wl + bl)
    # output layer
    h = h @ Wo + bo
    return h

if __name__ == "__main__":
    import jax
    _d = setup_inputs()
    print(jax.jit(kernel)(*tuple(_d.values())))

</pallas_src>

<mosaic_0001>
#map = affine_map<(d0, d1) -> (0, 0)>
#map1 = affine_map<(d0, d1) -> (0, 0, 0)>
module attributes {stable_mosaic.version = 14 : i64} {
  func.func @_sc_gs_body(%arg0: i32, %arg1: i32, %arg2: memref<10000x16xf32, #tpu.memory_space<hbm>>, %arg3: memref<2500x128xi32, #tpu.memory_space<hbm>>, %arg4: memref<2500x128xi32, #tpu.memory_space<hbm>>, %arg5: memref<10240x16xf32, #tpu.memory_space<hbm>>, %arg6: memref<2x10240x16xf32, #tpu.memory_space<hbm>>, %arg7: memref<6x128xi32, #tpu.memory_space<vmem>>, %arg8: memref<6x128xi32, #tpu.memory_space<vmem>>, %arg9: memref<768x16xf32, #tpu.memory_space<vmem>>, %arg10: memref<10000x16xf32, #tpu.memory_space<vmem_shared>>, %arg11: memref<10240x16xf32, #tpu.memory_space<vmem_shared>>, %arg12: memref<!tpu.dma_semaphore, #tpu.memory_space<semaphore_mem>>, %arg13: memref<!tpu.dma_semaphore, #tpu.memory_space<semaphore_mem>>) attributes {dimension_semantics = [#tpu.dimension_semantics<core_parallel>, #tpu.dimension_semantics<subcore_parallel>], iteration_bounds = array<i64: 2, 16>, scalar_prefetch = 0 : i64, scratch_operands = 7 : i64, tpu.core_type = #tpu.core_type<sc_vector_subcore>, window_params = [{transform_indices = #map}, {transform_indices = #map}, {transform_indices = #map}, {transform_indices = #map}, {transform_indices = #map1}]} {
    %mul3A = arith.constant 16 : i32
    %mul3A_0 = arith.muli %arg0, %mul3A : i32
    %add3A = arith.addi %mul3A_0, %arg1 : i32
    %eq3A = arith.constant 0 : i32
    %eq3A_1 = arith.cmpi eq, %arg1, %eq3A : i32
    %convert_element_type3A = arith.extui %eq3A_1 : i1 to i32
    %cond3A = arith.constant 0 : i32
    %cond3A_2 = arith.cmpi ne, %convert_element_type3A, %cond3A : i32
    scf.if %cond3A_2 {
      "tpu.region"() ({
        %run_scoped3A = tpu.sem_alloc : memref<!tpu.dma_semaphore, #tpu.memory_space<semaphore_mem>>
        tpu.enqueue_dma source(%arg5 : memref<10240x16xf32, #tpu.memory_space<hbm>>) target(%arg11 : memref<10240x16xf32, #tpu.memory_space<vmem_shared>>) target_semaphore(%run_scoped3A : memref<!tpu.dma_semaphore, #tpu.memory_space<semaphore_mem>>)
        tpu.wait_dma2 semaphore(%run_scoped3A : memref<!tpu.dma_semaphore, #tpu.memory_space<semaphore_mem>>) src(%arg5 : memref<10240x16xf32, #tpu.memory_space<hbm>>) dst(%arg11 : memref<10240x16xf32, #tpu.memory_space<vmem_shared>>)
        tpu.yield
      }) : () -> ()
    } else {
    }
    %lt3A = arith.constant 10 : i32
    %lt3A_3 = arith.cmpi slt, %arg1, %lt3A : i32
    %convert_element_type3A_4 = arith.extui %lt3A_3 : i1 to i32
    %cond3A_5 = arith.constant 0 : i32
    %cond3A_6 = arith.cmpi ne, %convert_element_type3A_4, %cond3A_5 : i32
    scf.if %cond3A_6 {
      %mul3A_22 = arith.constant 1000 : i32
      %mul3A_23 = arith.muli %arg1, %mul3A_22 : i32
      %mul3A_24 = arith.constant 1000 : i32
      %mul3A_25 = arith.muli %arg1, %mul3A_24 : i32
      "tpu.region"() ({
        %run_scoped3A = tpu.sem_alloc : memref<!tpu.dma_semaphore, #tpu.memory_space<semaphore_mem>>
        %dma_start3A = arith.constant 0 : i32
        %dma_start3A_26 = tpu.memref_slice %arg10[%mul3A_25, %dma_start3A] : memref<10000x16xf32, #tpu.memory_space<vmem_shared>> -> memref<1000x16xf32, #tpu.memory_space<vmem_shared>>
        %dma_start3A_27 = arith.constant 0 : i32
        %dma_start3A_28 = tpu.memref_slice %arg2[%mul3A_23, %dma_start3A_27] : memref<10000x16xf32, #tpu.memory_space<hbm>> -> memref<1000x16xf32, #tpu.memory_space<hbm>>
        tpu.enqueue_dma source(%dma_start3A_28 : memref<1000x16xf32, #tpu.memory_space<hbm>>) target(%dma_start3A_26 : memref<1000x16xf32, #tpu.memory_space<vmem_shared>>) target_semaphore(%run_scoped3A : memref<!tpu.dma_semaphore, #tpu.memory_space<semaphore_mem>>)
        %dma_wait3A = arith.constant 0 : i32
        %dma_wait3A_29 = tpu.memref_slice %arg10[%mul3A_25, %dma_wait3A] : memref<10000x16xf32, #tpu.memory_space<vmem_shared>> -> memref<1000x16xf32, #tpu.memory_space<vmem_shared>>
        %dma_wait3A_30 = arith.constant 0 : i32
        %dma_wait3A_31 = tpu.memref_slice %arg2[%mul3A_23, %dma_wait3A_30] : memref<10000x16xf32, #tpu.memory_space<hbm>> -> memref<1000x16xf32, #tpu.memory_space<hbm>>
        tpu.wait_dma2 semaphore(%run_scoped3A : memref<!tpu.dma_semaphore, #tpu.memory_space<semaphore_mem>>) src(%dma_wait3A_31 : memref<1000x16xf32, #tpu.memory_space<hbm>>) dst(%dma_wait3A_29 : memref<1000x16xf32, #tpu.memory_space<vmem_shared>>)
        tpu.yield
      }) : () -> ()
    } else {
    }
    %barrier3A = arith.constant 0 : index
    tpu.barrier barrier_id(%barrier3A)
    %scan3A = arith.constant 0 : i32
    %scan3A_7 = arith.constant 0 : i32
    %scan3A_8 = arith.constant 13 : i32
    %scan3A_9 = arith.addi %scan3A_7, %scan3A_8 : i32
    %scan3A_10 = arith.constant 1 : i32
    scf.for %scan3A_22 = %scan3A_7 to %scan3A_9 step %scan3A_10  : i32 {
      %mul3A_23 = arith.constant 78 : i32
      %mul3A_24 = arith.muli %add3A, %mul3A_23 : i32
      %mul3A_25 = arith.constant 6 : i32
      %mul3A_26 = arith.muli %scan3A_22, %mul3A_25 : i32
      %add3A_27 = arith.addi %mul3A_24, %mul3A_26 : i32
      "tpu.region"() ({
        %run_scoped3A = tpu.sem_alloc : memref<!tpu.dma_semaphore, #tpu.memory_space<semaphore_mem>>
        %dma_start3A_266 = arith.constant 0 : i32
        %dma_start3A_267 = tpu.memref_slice %arg3[%add3A_27, %dma_start3A_266] : memref<2500x128xi32, #tpu.memory_space<hbm>> -> memref<6x128xi32, #tpu.memory_space<hbm>>
        %dma_start3A_268 = arith.constant 0 : i32
        %dma_start3A_269 = tpu.memref_slice %arg3[%add3A_27, %dma_start3A_268] : memref<2500x128xi32, #tpu.memory_space<hbm>> -> memref<6x128xi32, #tpu.memory_space<hbm>>
        tpu.enqueue_dma source(%dma_start3A_269 : memref<6x128xi32, #tpu.memory_space<hbm>>) target(%arg7 : memref<6x128xi32, #tpu.memory_space<vmem>>) target_semaphore(%run_scoped3A : memref<!tpu.dma_semaphore, #tpu.memory_space<semaphore_mem>>)
        %dma_wait3A_270 = arith.constant 0 : i32
        %dma_wait3A_271 = tpu.memref_slice %arg3[%add3A_27, %dma_wait3A_270] : memref<2500x128xi32, #tpu.memory_space<hbm>> -> memref<6x128xi32, #tpu.memory_space<hbm>>
        %dma_wait3A_272 = arith.constant 0 : i32
        %dma_wait3A_273 = tpu.memref_slice %arg3[%add3A_27, %dma_wait3A_272] : memref<2500x128xi32, #tpu.memory_space<hbm>> -> memref<6x128xi32, #tpu.memory_space<hbm>>
        tpu.wait_dma2 semaphore(%run_scoped3A : memref<!tpu.dma_semaphore, #tpu.memory_space<semaphore_mem>>) src(%dma_wait3A_273 : memref<6x128xi32, #tpu.memory_space<hbm>>) dst(%arg7 : memref<6x128xi32, #tpu.memory_space<vmem>>)
        tpu.yield
      }) : () -> ()
      "tpu.region"() ({
        %run_scoped3A = tpu.sem_alloc : memref<!tpu.dma_semaphore, #tpu.memory_space<semaphore_mem>>
        %dma_start3A_266 = arith.constant 0 : i32
        %dma_start3A_267 = tpu.memref_slice %arg4[%add3A_27, %dma_start3A_266] : memref<2500x128xi32, #tpu.memory_space<hbm>> -> memref<6x128xi32, #tpu.memory_space<hbm>>
        %dma_start3A_268 = arith.constant 0 : i32
        %dma_start3A_269 = tpu.memref_slice %arg4[%add3A_27, %dma_start3A_268] : memref<2500x128xi32, #tpu.memory_space<hbm>> -> memref<6x128xi32, #tpu.memory_space<hbm>>
        tpu.enqueue_dma source(%dma_start3A_269 : memref<6x128xi32, #tpu.memory_space<hbm>>) target(%arg8 : memref<6x128xi32, #tpu.memory_space<vmem>>) target_semaphore(%run_scoped3A : memref<!tpu.dma_semaphore, #tpu.memory_space<semaphore_mem>>)
        %dma_wait3A_270 = arith.constant 0 : i32
        %dma_wait3A_271 = tpu.memref_slice %arg4[%add3A_27, %dma_wait3A_270] : memref<2500x128xi32, #tpu.memory_space<hbm>> -> memref<6x128xi32, #tpu.memory_space<hbm>>
        %dma_wait3A_272 = arith.constant 0 : i32
        %dma_wait3A_273 = tpu.memref_slice %arg4[%add3A_27, %dma_wait3A_272] : memref<2500x128xi32, #tpu.memory_space<hbm>> -> memref<6x128xi32, #tpu.memory_space<hbm>>
        tpu.wait_dma2 semaphore(%run_scoped3A : memref<!tpu.dma_semaphore, #tpu.memory_space<semaphore_mem>>) src(%dma_wait3A_273 : memref<6x128xi32, #tpu.memory_space<hbm>>) dst(%arg8 : memref<6x128xi32, #tpu.memory_space<vmem>>)
        tpu.yield
      }) : () -> ()
      %dma_start3A = arith.constant 0 : i32
      %dma_start3A_28 = arith.constant 0 : i32
      %dma_start3A_29 = arith.constant 0 : i32
      %dma_start3A_30 = tpu.memref_slice %arg9[%dma_start3A_28, %dma_start3A_29] : memref<768x16xf32, #tpu.memory_space<vmem>> -> memref<128x16xf32, #tpu.memory_space<vmem>>
      %dma_start3A_31 = arith.constant 0 : i32
      %dma_start3A_32 = tpu.memref_slice %arg7[%dma_start3A, %dma_start3A_31] : memref<6x128xi32, #tpu.memory_space<vmem>> -> memref<1x128xi32, #tpu.memory_space<vmem>>
      %dma_start3A_33 = tpu.memref_squeeze %dma_start3A_32 : memref<1x128xi32, #tpu.memory_space<vmem>> -> memref<128xi32, #tpu.memory_space<vmem>>
      %dma_start3A_34 = arith.constant 0 : i32
      %dma_start3A_35 = arith.constant 0 : i32
      %dma_start3A_36 = tpu.memref_slice %arg10[%dma_start3A_34, %dma_start3A_35] : memref<10000x16xf32, #tpu.memory_space<vmem_shared>> -> memref<10000x16xf32, #tpu.memory_space<vmem_shared>>
      tpu.enqueue_indirect_dma source(%dma_start3A_36 : memref<10000x16xf32, #tpu.memory_space<vmem_shared>>) target(%dma_start3A_30 : memref<128x16xf32, #tpu.memory_space<vmem>>) offsets(%dma_start3A_33 : memref<128xi32, #tpu.memory_space<vmem>>) semaphore(%arg12 : memref<!tpu.dma_semaphore, #tpu.memory_space<semaphore_mem>>)
      %dma_start3A_37 = arith.constant 1 : i32
      %dma_start3A_38 = arith.constant 128 : i32
      %dma_start3A_39 = arith.constant 0 : i32
      %dma_start3A_40 = tpu.memref_slice %arg9[%dma_start3A_38, %dma_start3A_39] : memref<768x16xf32, #tpu.memory_space<vmem>> -> memref<128x16xf32, #tpu.memory_space<vmem>>
      %dma_start3A_41 = arith.constant 0 : i32
      %dma_start3A_42 = tpu.memref_slice %arg7[%dma_start3A_37, %dma_start3A_41] : memref<6x128xi32, #tpu.memory_space<vmem>> -> memref<1x128xi32, #tpu.memory_space<vmem>>
      %dma_start3A_43 = tpu.memref_squeeze %dma_start3A_42 : memref<1x128xi32, #tpu.memory_space<vmem>> -> memref<128xi32, #tpu.memory_space<vmem>>
      %dma_start3A_44 = arith.constant 0 : i32
      %dma_start3A_45 = arith.constant 0 : i32
      %dma_start3A_46 = tpu.memref_slice %arg10[%dma_start3A_44, %dma_start3A_45] : memref<10000x16xf32, #tpu.memory_space<vmem_shared>> -> memref<10000x16xf32, #tpu.memory_space<vmem_shared>>
      tpu.enqueue_indirect_dma source(%dma_start3A_46 : memref<10000x16xf32, #tpu.memory_space<vmem_shared>>) target(%dma_start3A_40 : memref<128x16xf32, #tpu.memory_space<vmem>>) offsets(%dma_start3A_43 : memref<128xi32, #tpu.memory_space<vmem>>) semaphore(%arg12 : memref<!tpu.dma_semaphore, #tpu.memory_space<semaphore_mem>>)
      %dma_start3A_47 = arith.constant 2 : i32
      %dma_start3A_48 = arith.constant 256 : i32
      %dma_start3A_49 = arith.constant 0 : i32
      %dma_start3A_50 = tpu.memref_slice %arg9[%dma_start3A_48, %dma_start3A_49] : memref<768x16xf32, #tpu.memory_space<vmem>> -> memref<128x16xf32, #tpu.memory_space<vmem>>
      %dma_start3A_51 = arith.constant 0 : i32
      %dma_start3A_52 = tpu.memref_slice %arg7[%dma_start3A_47, %dma_start3A_51] : memref<6x128xi32, #tpu.memory_space<vmem>> -> memref<1x128xi32, #tpu.memory_space<vmem>>
      %dma_start3A_53 = tpu.memref_squeeze %dma_start3A_52 : memref<1x128xi32, #tpu.memory_space<vmem>> -> memref<128xi32, #tpu.memory_space<vmem>>
      %dma_start3A_54 = arith.constant 0 : i32
      %dma_start3A_55 = arith.constant 0 : i32
      %dma_start3A_56 = tpu.memref_slice %arg10[%dma_start3A_54, %dma_start3A_55] : memref<10000x16xf32, #tpu.memory_space<vmem_shared>> -> memref<10000x16xf32, #tpu.memory_space<vmem_shared>>
      tpu.enqueue_indirect_dma source(%dma_start3A_56 : memref<10000x16xf32, #tpu.memory_space<vmem_shared>>) target(%dma_start3A_50 : memref<128x16xf32, #tpu.memory_space<vmem>>) offsets(%dma_start3A_53 : memref<128xi32, #tpu.memory_space<vmem>>) semaphore(%arg12 : memref<!tpu.dma_semaphore, #tpu.memory_space<semaphore_mem>>)
      %dma_start3A_57 = arith.constant 3 : i32
      %dma_start3A_58 = arith.constant 384 : i32
      %dma_start3A_59 = arith.constant 0 : i32
      %dma_start3A_60 = tpu.memref_slice %arg9[%dma_start3A_58, %dma_start3A_59] : memref<768x16xf32, #tpu.memory_space<vmem>> -> memref<128x16xf32, #tpu.memory_space<vmem>>
      %dma_start3A_61 = arith.constant 0 : i32
      %dma_start3A_62 = tpu.memref_slice %arg7[%dma_start3A_57, %dma_start3A_61] : memref<6x128xi32, #tpu.memory_space<vmem>> -> memref<1x128xi32, #tpu.memory_space<vmem>>
      %dma_start3A_63 = tpu.memref_squeeze %dma_start3A_62 : memref<1x128xi32, #tpu.memory_space<vmem>> -> memref<128xi32, #tpu.memory_space<vmem>>
      %dma_start3A_64 = arith.constant 0 : i32
      %dma_start3A_65 = arith.constant 0 : i32
      %dma_start3A_66 = tpu.memref_slice %arg10[%dma_start3A_64, %dma_start3A_65] : memref<10000x16xf32, #tpu.memory_space<vmem_shared>> -> memref<10000x16xf32, #tpu.memory_space<vmem_shared>>
      tpu.enqueue_indirect_dma source(%dma_start3A_66 : memref<10000x16xf32, #tpu.memory_space<vmem_shared>>) target(%dma_start3A_60 : memref<128x16xf32, #tpu.memory_space<vmem>>) offsets(%dma_start3A_63 : memref<128xi32, #tpu.memory_space<vmem>>) semaphore(%arg12 : memref<!tpu.dma_semaphore, #tpu.memory_space<semaphore_mem>>)
      %dma_start3A_67 = arith.constant 4 : i32
      %dma_start3A_68 = arith.constant 512 : i32
      %dma_start3A_69 = arith.constant 0 : i32
      %dma_start3A_70 = tpu.memref_slice %arg9[%dma_start3A_68, %dma_start3A_69] : memref<768x16xf32, #tpu.memory_space<vmem>> -> memref<128x16xf32, #tpu.memory_space<vmem>>
      %dma_start3A_71 = arith.constant 0 : i32
      %dma_start3A_72 = tpu.memref_slice %arg7[%dma_start3A_67, %dma_start3A_71] : memref<6x128xi32, #tpu.memory_space<vmem>> -> memref<1x128xi32, #tpu.memory_space<vmem>>
      %dma_start3A_73 = tpu.memref_squeeze %dma_start3A_72 : memref<1x128xi32, #tpu.memory_space<vmem>> -> memref<128xi32, #tpu.memory_space<vmem>>
      %dma_start3A_74 = arith.constant 0 : i32
      %dma_start3A_75 = arith.constant 0 : i32
      %dma_start3A_76 = tpu.memref_slice %arg10[%dma_start3A_74, %dma_start3A_75] : memref<10000x16xf32, #tpu.memory_space<vmem_shared>> -> memref<10000x16xf32, #tpu.memory_space<vmem_shared>>
      tpu.enqueue_indirect_dma source(%dma_start3A_76 : memref<10000x16xf32, #tpu.memory_space<vmem_shared>>) target(%dma_start3A_70 : memref<128x16xf32, #tpu.memory_space<vmem>>) offsets(%dma_start3A_73 : memref<128xi32, #tpu.memory_space<vmem>>) semaphore(%arg12 : memref<!tpu.dma_semaphore, #tpu.memory_space<semaphore_mem>>)
      %dma_start3A_77 = arith.constant 5 : i32
      %dma_start3A_78 = arith.constant 640 : i32
      %dma_start3A_79 = arith.constant 0 : i32
      %dma_start3A_80 = tpu.memref_slice %arg9[%dma_start3A_78, %dma_start3A_79] : memref<768x16xf32, #tpu.memory_space<vmem>> -> memref<128x16xf32, #tpu.memory_space<vmem>>
      %dma_start3A_81 = arith.constant 0 : i32
      %dma_start3A_82 = tpu.memref_slice %arg7[%dma_start3A_77, %dma_start3A_81] : memref<6x128xi32, #tpu.memory_space<vmem>> -> memref<1x128xi32, #tpu.memory_space<vmem>>
      %dma_start3A_83 = tpu.memref_squeeze %dma_start3A_82 : memref<1x128xi32, #tpu.memory_space<vmem>> -> memref<128xi32, #tpu.memory_space<vmem>>
      %dma_start3A_84 = arith.constant 0 : i32
      %dma_start3A_85 = arith.constant 0 : i32
      %dma_start3A_86 = tpu.memref_slice %arg10[%dma_start3A_84, %dma_start3A_85] : memref<10000x16xf32, #tpu.memory_space<vmem_shared>> -> memref<10000x16xf32, #tpu.memory_space<vmem_shared>>
      tpu.enqueue_indirect_dma source(%dma_start3A_86 : memref<10000x16xf32, #tpu.memory_space<vmem_shared>>) target(%dma_start3A_80 : memref<128x16xf32, #tpu.memory_space<vmem>>) offsets(%dma_start3A_83 : memref<128xi32, #tpu.memory_space<vmem>>) semaphore(%arg12 : memref<!tpu.dma_semaphore, #tpu.memory_space<semaphore_mem>>)
      %dma_wait3A = arith.constant 0 : i32
      %dma_wait3A_87 = arith.constant 0 : i32
      %dma_wait3A_88 = arith.constant 0 : i32
      %dma_wait3A_89 = tpu.memref_slice %arg9[%dma_wait3A_87, %dma_wait3A_88] : memref<768x16xf32, #tpu.memory_space<vmem>> -> memref<128x16xf32, #tpu.memory_space<vmem>>
      %dma_wait3A_90 = arith.constant 0 : i32
      %dma_wait3A_91 = tpu.memref_slice %arg7[%dma_wait3A, %dma_wait3A_90] : memref<6x128xi32, #tpu.memory_space<vmem>> -> memref<1x128xi32, #tpu.memory_space<vmem>>
      %dma_wait3A_92 = tpu.memref_squeeze %dma_wait3A_91 : memref<1x128xi32, #tpu.memory_space<vmem>> -> memref<128xi32, #tpu.memory_space<vmem>>
      %dma_wait3A_93 = arith.constant 0 : i32
      %dma_wait3A_94 = arith.constant 0 : i32
      %dma_wait3A_95 = tpu.memref_slice %arg10[%dma_wait3A_93, %dma_wait3A_94] : memref<10000x16xf32, #tpu.memory_space<vmem_shared>> -> memref<10000x16xf32, #tpu.memory_space<vmem_shared>>
      tpu.wait_indirect_dma semaphore(%arg12 : memref<!tpu.dma_semaphore, #tpu.memory_space<semaphore_mem>>) src(%dma_wait3A_95 : memref<10000x16xf32, #tpu.memory_space<vmem_shared>>) dst(%dma_wait3A_89 : memref<128x16xf32, #tpu.memory_space<vmem>>)
      %dma_start3A_96 = arith.constant 0 : i32
      %dma_start3A_97 = arith.constant 0 : i32
      %dma_start3A_98 = arith.constant 0 : i32
      %dma_start3A_99 = tpu.memref_slice %arg9[%dma_start3A_97, %dma_start3A_98] : memref<768x16xf32, #tpu.memory_space<vmem>> -> memref<128x16xf32, #tpu.memory_space<vmem>>
      %dma_start3A_100 = arith.constant 0 : i32
      %dma_start3A_101 = tpu.memref_slice %arg8[%dma_start3A_96, %dma_start3A_100] : memref<6x128xi32, #tpu.memory_space<vmem>> -> memref<1x128xi32, #tpu.memory_space<vmem>>
      %dma_start3A_102 = tpu.memref_squeeze %dma_start3A_101 : memref<1x128xi32, #tpu.memory_space<vmem>> -> memref<128xi32, #tpu.memory_space<vmem>>
      %dma_start3A_103 = arith.constant 0 : i32
      %dma_start3A_104 = arith.constant 0 : i32
      %dma_start3A_105 = tpu.memref_slice %arg11[%dma_start3A_103, %dma_start3A_104] : memref<10240x16xf32, #tpu.memory_space<vmem_shared>> -> memref<10240x16xf32, #tpu.memory_space<vmem_shared>>
      tpu.enqueue_indirect_dma source(%dma_start3A_99 : memref<128x16xf32, #tpu.memory_space<vmem>>) target(%dma_start3A_105 : memref<10240x16xf32, #tpu.memory_space<vmem_shared>>) offsets(%dma_start3A_102 : memref<128xi32, #tpu.memory_space<vmem>>) semaphore(%arg13 : memref<!tpu.dma_semaphore, #tpu.memory_space<semaphore_mem>>) {add = true}
      %dma_wait3A_106 = arith.constant 1 : i32
      %dma_wait3A_107 = arith.constant 128 : i32
      %dma_wait3A_108 = arith.constant 0 : i32
      %dma_wait3A_109 = tpu.memref_slice %arg9[%dma_wait3A_107, %dma_wait3A_108] : memref<768x16xf32, #tpu.memory_space<vmem>> -> memref<128x16xf32, #tpu.memory_space<vmem>>
      %dma_wait3A_110 = arith.constant 0 : i32
      %dma_wait3A_111 = tpu.memref_slice %arg7[%dma_wait3A_106, %dma_wait3A_110] : memref<6x128xi32, #tpu.memory_space<vmem>> -> memref<1x128xi32, #tpu.memory_space<vmem>>
      %dma_wait3A_112 = tpu.memref_squeeze %dma_wait3A_111 : memref<1x128xi32, #tpu.memory_space<vmem>> -> memref<128xi32, #tpu.memory_space<vmem>>
      %dma_wait3A_113 = arith.constant 0 : i32
      %dma_wait3A_114 = arith.constant 0 : i32
      %dma_wait3A_115 = tpu.memref_slice %arg10[%dma_wait3A_113, %dma_wait3A_114] : memref<10000x16xf32, #tpu.memory_space<vmem_shared>> -> memref<10000x16xf32, #tpu.memory_space<vmem_shared>>
      tpu.wait_indirect_dma semaphore(%arg12 : memref<!tpu.dma_semaphore, #tpu.memory_space<semaphore_mem>>) src(%dma_wait3A_115 : memref<10000x16xf32, #tpu.memory_space<vmem_shared>>) dst(%dma_wait3A_109 : memref<128x16xf32, #tpu.memory_space<vmem>>)
      %dma_start3A_116 = arith.constant 1 : i32
      %dma_start3A_117 = arith.constant 128 : i32
      %dma_start3A_118 = arith.constant 0 : i32
      %dma_start3A_119 = tpu.memref_slice %arg9[%dma_start3A_117, %dma_start3A_118] : memref<768x16xf32, #tpu.memory_space<vmem>> -> memref<128x16xf32, #tpu.memory_space<vmem>>
      %dma_start3A_120 = arith.constant 0 : i32
      %dma_start3A_121 = tpu.memref_slice %arg8[%dma_start3A_116, %dma_start3A_120] : memref<6x128xi32, #tpu.memory_space<vmem>> -> memref<1x128xi32, #tpu.memory_space<vmem>>
      %dma_start3A_122 = tpu.memref_squeeze %dma_start3A_121 : memref<1x128xi32, #tpu.memory_space<vmem>> -> memref<128xi32, #tpu.memory_space<vmem>>
      %dma_start3A_123 = arith.constant 0 : i32
      %dma_start3A_124 = arith.constant 0 : i32
      %dma_start3A_125 = tpu.memref_slice %arg11[%dma_start3A_123, %dma_start3A_124] : memref<10240x16xf32, #tpu.memory_space<vmem_shared>> -> memref<10240x16xf32, #tpu.memory_space<vmem_shared>>
      tpu.enqueue_indirect_dma source(%dma_start3A_119 : memref<128x16xf32, #tpu.memory_space<vmem>>) target(%dma_start3A_125 : memref<10240x16xf32, #tpu.memory_space<vmem_shared>>) offsets(%dma_start3A_122 : memref<128xi32, #tpu.memory_space<vmem>>) semaphore(%arg13 : memref<!tpu.dma_semaphore, #tpu.memory_space<semaphore_mem>>) {add = true}
      %dma_wait3A_126 = arith.constant 2 : i32
      %dma_wait3A_127 = arith.constant 256 : i32
      %dma_wait3A_128 = arith.constant 0 : i32
      %dma_wait3A_129 = tpu.memref_slice %arg9[%dma_wait3A_127, %dma_wait3A_128] : memref<768x16xf32, #tpu.memory_space<vmem>> -> memref<128x16xf32, #tpu.memory_space<vmem>>
      %dma_wait3A_130 = arith.constant 0 : i32
      %dma_wait3A_131 = tpu.memref_slice %arg7[%dma_wait3A_126, %dma_wait3A_130] : memref<6x128xi32, #tpu.memory_space<vmem>> -> memref<1x128xi32, #tpu.memory_space<vmem>>
      %dma_wait3A_132 = tpu.memref_squeeze %dma_wait3A_131 : memref<1x128xi32, #tpu.memory_space<vmem>> -> memref<128xi32, #tpu.memory_space<vmem>>
      %dma_wait3A_133 = arith.constant 0 : i32
      %dma_wait3A_134 = arith.constant 0 : i32
      %dma_wait3A_135 = tpu.memref_slice %arg10[%dma_wait3A_133, %dma_wait3A_134] : memref<10000x16xf32, #tpu.memory_space<vmem_shared>> -> memref<10000x16xf32, #tpu.memory_space<vmem_shared>>
      tpu.wait_indirect_dma semaphore(%arg12 : memref<!tpu.dma_semaphore, #tpu.memory_space<semaphore_mem>>) src(%dma_wait3A_135 : memref<10000x16xf32, #tpu.memory_space<vmem_shared>>) dst(%dma_wait3A_129 : memref<128x16xf32, #tpu.memory_space<vmem>>)
      %dma_start3A_136 = arith.constant 2 : i32
      %dma_start3A_137 = arith.constant 256 : i32
      %dma_start3A_138 = arith.constant 0 : i32
      %dma_start3A_139 = tpu.memref_slice %arg9[%dma_start3A_137, %dma_start3A_138] : memref<768x16xf32, #tpu.memory_space<vmem>> -> memref<128x16xf32, #tpu.memory_space<vmem>>
      %dma_start3A_140 = arith.constant 0 : i32
      %dma_start3A_141 = tpu.memref_slice %arg8[%dma_start3A_136, %dma_start3A_140] : memref<6x128xi32, #tpu.memory_space<vmem>> -> memref<1x128xi32, #tpu.memory_space<vmem>>
      %dma_start3A_142 = tpu.memref_squeeze %dma_start3A_141 : memref<1x128xi32, #tpu.memory_space<vmem>> -> memref<128xi32, #tpu.memory_space<vmem>>
      %dma_start3A_143 = arith.constant 0 : i32
      %dma_start3A_144 = arith.constant 0 : i32
      %dma_start3A_145 = tpu.memref_slice %arg11[%dma_start3A_143, %dma_start3A_144] : memref<10240x16xf32, #tpu.memory_space<vmem_shared>> -> memref<10240x16xf32, #tpu.memory_space<vmem_shared>>
      tpu.enqueue_indirect_dma source(%dma_start3A_139 : memref<128x16xf32, #tpu.memory_space<vmem>>) target(%dma_start3A_145 : memref<10240x16xf32, #tpu.memory_space<vmem_shared>>) offsets(%dma_start3A_142 : memref<128xi32, #tpu.memory_space<vmem>>) semaphore(%arg13 : memref<!tpu.dma_semaphore, #tpu.memory_space<semaphore_mem>>) {add = true}
      %dma_wait3A_146 = arith.constant 3 : i32
      %dma_wait3A_147 = arith.constant 384 : i32
      %dma_wait3A_148 = arith.constant 0 : i32
      %dma_wait3A_149 = tpu.memref_slice %arg9[%dma_wait3A_147, %dma_wait3A_148] : memref<768x16xf32, #tpu.memory_space<vmem>> -> memref<128x16xf32, #tpu.memory_space<vmem>>
      %dma_wait3A_150 = arith.constant 0 : i32
      %dma_wait3A_151 = tpu.memref_slice %arg7[%dma_wait3A_146, %dma_wait3A_150] : memref<6x128xi32, #tpu.memory_space<vmem>> -> memref<1x128xi32, #tpu.memory_space<vmem>>
      %dma_wait3A_152 = tpu.memref_squeeze %dma_wait3A_151 : memref<1x128xi32, #tpu.memory_space<vmem>> -> memref<128xi32, #tpu.memory_space<vmem>>
      %dma_wait3A_153 = arith.constant 0 : i32
      %dma_wait3A_154 = arith.constant 0 : i32
      %dma_wait3A_155 = tpu.memref_slice %arg10[%dma_wait3A_153, %dma_wait3A_154] : memref<10000x16xf32, #tpu.memory_space<vmem_shared>> -> memref<10000x16xf32, #tpu.memory_space<vmem_shared>>
      tpu.wait_indirect_dma semaphore(%arg12 : memref<!tpu.dma_semaphore, #tpu.memory_space<semaphore_mem>>) src(%dma_wait3A_155 : memref<10000x16xf32, #tpu.memory_space<vmem_shared>>) dst(%dma_wait3A_149 : memref<128x16xf32, #tpu.memory_space<vmem>>)
      %dma_start3A_156 = arith.constant 3 : i32
      %dma_start3A_157 = arith.constant 384 : i32
      %dma_start3A_158 = arith.constant 0 : i32
      %dma_start3A_159 = tpu.memref_slice %arg9[%dma_start3A_157, %dma_start3A_158] : memref<768x16xf32, #tpu.memory_space<vmem>> -> memref<128x16xf32, #tpu.memory_space<vmem>>
      %dma_start3A_160 = arith.constant 0 : i32
      %dma_start3A_161 = tpu.memref_slice %arg8[%dma_start3A_156, %dma_start3A_160] : memref<6x128xi32, #tpu.memory_space<vmem>> -> memref<1x128xi32, #tpu.memory_space<vmem>>
      %dma_start3A_162 = tpu.memref_squeeze %dma_start3A_161 : memref<1x128xi32, #tpu.memory_space<vmem>> -> memref<128xi32, #tpu.memory_space<vmem>>
      %dma_start3A_163 = arith.constant 0 : i32
      %dma_start3A_164 = arith.constant 0 : i32
      %dma_start3A_165 = tpu.memref_slice %arg11[%dma_start3A_163, %dma_start3A_164] : memref<10240x16xf32, #tpu.memory_space<vmem_shared>> -> memref<10240x16xf32, #tpu.memory_space<vmem_shared>>
      tpu.enqueue_indirect_dma source(%dma_start3A_159 : memref<128x16xf32, #tpu.memory_space<vmem>>) target(%dma_start3A_165 : memref<10240x16xf32, #tpu.memory_space<vmem_shared>>) offsets(%dma_start3A_162 : memref<128xi32, #tpu.memory_space<vmem>>) semaphore(%arg13 : memref<!tpu.dma_semaphore, #tpu.memory_space<semaphore_mem>>) {add = true}
      %dma_wait3A_166 = arith.constant 4 : i32
      %dma_wait3A_167 = arith.constant 512 : i32
      %dma_wait3A_168 = arith.constant 0 : i32
      %dma_wait3A_169 = tpu.memref_slice %arg9[%dma_wait3A_167, %dma_wait3A_168] : memref<768x16xf32, #tpu.memory_space<vmem>> -> memref<128x16xf32, #tpu.memory_space<vmem>>
      %dma_wait3A_170 = arith.constant 0 : i32
      %dma_wait3A_171 = tpu.memref_slice %arg7[%dma_wait3A_166, %dma_wait3A_170] : memref<6x128xi32, #tpu.memory_space<vmem>> -> memref<1x128xi32, #tpu.memory_space<vmem>>
      %dma_wait3A_172 = tpu.memref_squeeze %dma_wait3A_171 : memref<1x128xi32, #tpu.memory_space<vmem>> -> memref<128xi32, #tpu.memory_space<vmem>>
      %dma_wait3A_173 = arith.constant 0 : i32
      %dma_wait3A_174 = arith.constant 0 : i32
      %dma_wait3A_175 = tpu.memref_slice %arg10[%dma_wait3A_173, %dma_wait3A_174] : memref<10000x16xf32, #tpu.memory_space<vmem_shared>> -> memref<10000x16xf32, #tpu.memory_space<vmem_shared>>
      tpu.wait_indirect_dma semaphore(%arg12 : memref<!tpu.dma_semaphore, #tpu.memory_space<semaphore_mem>>) src(%dma_wait3A_175 : memref<10000x16xf32, #tpu.memory_space<vmem_shared>>) dst(%dma_wait3A_169 : memref<128x16xf32, #tpu.memory_space<vmem>>)
      %dma_start3A_176 = arith.constant 4 : i32
      %dma_start3A_177 = arith.constant 512 : i32
      %dma_start3A_178 = arith.constant 0 : i32
      %dma_start3A_179 = tpu.memref_slice %arg9[%dma_start3A_177, %dma_start3A_178] : memref<768x16xf32, #tpu.memory_space<vmem>> -> memref<128x16xf32, #tpu.memory_space<vmem>>
      %dma_start3A_180 = arith.constant 0 : i32
      %dma_start3A_181 = tpu.memref_slice %arg8[%dma_start3A_176, %dma_start3A_180] : memref<6x128xi32, #tpu.memory_space<vmem>> -> memref<1x128xi32, #tpu.memory_space<vmem>>
      %dma_start3A_182 = tpu.memref_squeeze %dma_start3A_181 : memref<1x128xi32, #tpu.memory_space<vmem>> -> memref<128xi32, #tpu.memory_space<vmem>>
      %dma_start3A_183 = arith.constant 0 : i32
      %dma_start3A_184 = arith.constant 0 : i32
      %dma_start3A_185 = tpu.memref_slice %arg11[%dma_start3A_183, %dma_start3A_184] : memref<10240x16xf32, #tpu.memory_space<vmem_shared>> -> memref<10240x16xf32, #tpu.memory_space<vmem_shared>>
      tpu.enqueue_indirect_dma source(%dma_start3A_179 : memref<128x16xf32, #tpu.memory_space<vmem>>) target(%dma_start3A_185 : memref<10240x16xf32, #tpu.memory_space<vmem_shared>>) offsets(%dma_start3A_182 : memref<128xi32, #tpu.memory_space<vmem>>) semaphore(%arg13 : memref<!tpu.dma_semaphore, #tpu.memory_space<semaphore_mem>>) {add = true}
      %dma_wait3A_186 = arith.constant 5 : i32
      %dma_wait3A_187 = arith.constant 640 : i32
      %dma_wait3A_188 = arith.constant 0 : i32
      %dma_wait3A_189 = tpu.memref_slice %arg9[%dma_wait3A_187, %dma_wait3A_188] : memref<768x16xf32, #tpu.memory_space<vmem>> -> memref<128x16xf32, #tpu.memory_space<vmem>>
      %dma_wait3A_190 = arith.constant 0 : i32
      %dma_wait3A_191 = tpu.memref_slice %arg7[%dma_wait3A_186, %dma_wait3A_190] : memref<6x128xi32, #tpu.memory_space<vmem>> -> memref<1x128xi32, #tpu.memory_space<vmem>>
      %dma_wait3A_192 = tpu.memref_squeeze %dma_wait3A_191 : memref<1x128xi32, #tpu.memory_space<vmem>> -> memref<128xi32, #tpu.memory_space<vmem>>
      %dma_wait3A_193 = arith.constant 0 : i32
      %dma_wait3A_194 = arith.constant 0 : i32
      %dma_wait3A_195 = tpu.memref_slice %arg10[%dma_wait3A_193, %dma_wait3A_194] : memref<10000x16xf32, #tpu.memory_space<vmem_shared>> -> memref<10000x16xf32, #tpu.memory_space<vmem_shared>>
      tpu.wait_indirect_dma semaphore(%arg12 : memref<!tpu.dma_semaphore, #tpu.memory_space<semaphore_mem>>) src(%dma_wait3A_195 : memref<10000x16xf32, #tpu.memory_space<vmem_shared>>) dst(%dma_wait3A_189 : memref<128x16xf32, #tpu.memory_space<vmem>>)
      %dma_start3A_196 = arith.constant 5 : i32
      %dma_start3A_197 = arith.constant 640 : i32
      %dma_start3A_198 = arith.constant 0 : i32
      %dma_start3A_199 = tpu.memref_slice %arg9[%dma_start3A_197, %dma_start3A_198] : memref<768x16xf32, #tpu.memory_space<vmem>> -> memref<128x16xf32, #tpu.memory_space<vmem>>
      %dma_start3A_200 = arith.constant 0 : i32
      %dma_start3A_201 = tpu.memref_slice %arg8[%dma_start3A_196, %dma_start3A_200] : memref<6x128xi32, #tpu.memory_space<vmem>> -> memref<1x128xi32, #tpu.memory_space<vmem>>
      %dma_start3A_202 = tpu.memref_squeeze %dma_start3A_201 : memref<1x128xi32, #tpu.memory_space<vmem>> -> memref<128xi32, #tpu.memory_space<vmem>>
      %dma_start3A_203 = arith.constant 0 : i32
      %dma_start3A_204 = arith.constant 0 : i32
      %dma_start3A_205 = tpu.memref_slice %arg11[%dma_start3A_203, %dma_start3A_204] : memref<10240x16xf32, #tpu.memory_space<vmem_shared>> -> memref<10240x16xf32, #tpu.memory_space<vmem_shared>>
      tpu.enqueue_indirect_dma source(%dma_start3A_199 : memref<128x16xf32, #tpu.memory_space<vmem>>) target(%dma_start3A_205 : memref<10240x16xf32, #tpu.memory_space<vmem_shared>>) offsets(%dma_start3A_202 : memref<128xi32, #tpu.memory_space<vmem>>) semaphore(%arg13 : memref<!tpu.dma_semaphore, #tpu.memory_space<semaphore_mem>>) {add = true}
      %dma_wait3A_206 = arith.constant 0 : i32
      %dma_wait3A_207 = arith.constant 0 : i32
      %dma_wait3A_208 = arith.constant 0 : i32
      %dma_wait3A_209 = tpu.memref_slice %arg9[%dma_wait3A_207, %dma_wait3A_208] : memref<768x16xf32, #tpu.memory_space<vmem>> -> memref<128x16xf32, #tpu.memory_space<vmem>>
      %dma_wait3A_210 = arith.constant 0 : i32
      %dma_wait3A_211 = tpu.memref_slice %arg8[%dma_wait3A_206, %dma_wait3A_210] : memref<6x128xi32, #tpu.memory_space<vmem>> -> memref<1x128xi32, #tpu.memory_space<vmem>>
      %dma_wait3A_212 = tpu.memref_squeeze %dma_wait3A_211 : memref<1x128xi32, #tpu.memory_space<vmem>> -> memref<128xi32, #tpu.memory_space<vmem>>
      %dma_wait3A_213 = arith.constant 0 : i32
      %dma_wait3A_214 = arith.constant 0 : i32
      %dma_wait3A_215 = tpu.memref_slice %arg11[%dma_wait3A_213, %dma_wait3A_214] : memref<10240x16xf32, #tpu.memory_space<vmem_shared>> -> memref<10240x16xf32, #tpu.memory_space<vmem_shared>>
      tpu.wait_indirect_dma semaphore(%arg13 : memref<!tpu.dma_semaphore, #tpu.memory_space<semaphore_mem>>) src(%dma_wait3A_209 : memref<128x16xf32, #tpu.memory_space<vmem>>) dst(%dma_wait3A_215 : memref<10240x16xf32, #tpu.memory_space<vmem_shared>>)
      %dma_wait3A_216 = arith.constant 1 : i32
      %dma_wait3A_217 = arith.constant 128 : i32
      %dma_wait3A_218 = arith.constant 0 : i32
      %dma_wait3A_219 = tpu.memref_slice %arg9[%dma_wait3A_217, %dma_wait3A_218] : memref<768x16xf32, #tpu.memory_space<vmem>> -> memref<128x16xf32, #tpu.memory_space<vmem>>
      %dma_wait3A_220 = arith.constant 0 : i32
      %dma_wait3A_221 = tpu.memref_slice %arg8[%dma_wait3A_216, %dma_wait3A_220] : memref<6x128xi32, #tpu.memory_space<vmem>> -> memref<1x128xi32, #tpu.memory_space<vmem>>
      %dma_wait3A_222 = tpu.memref_squeeze %dma_wait3A_221 : memref<1x128xi32, #tpu.memory_space<vmem>> -> memref<128xi32, #tpu.memory_space<vmem>>
      %dma_wait3A_223 = arith.constant 0 : i32
      %dma_wait3A_224 = arith.constant 0 : i32
      %dma_wait3A_225 = tpu.memref_slice %arg11[%dma_wait3A_223, %dma_wait3A_224] : memref<10240x16xf32, #tpu.memory_space<vmem_shared>> -> memref<10240x16xf32, #tpu.memory_space<vmem_shared>>
      tpu.wait_indirect_dma semaphore(%arg13 : memref<!tpu.dma_semaphore, #tpu.memory_space<semaphore_mem>>) src(%dma_wait3A_219 : memref<128x16xf32, #tpu.memory_space<vmem>>) dst(%dma_wait3A_225 : memref<10240x16xf32, #tpu.memory_space<vmem_shared>>)
      %dma_wait3A_226 = arith.constant 2 : i32
      %dma_wait3A_227 = arith.constant 256 : i32
      %dma_wait3A_228 = arith.constant 0 : i32
      %dma_wait3A_229 = tpu.memref_slice %arg9[%dma_wait3A_227, %dma_wait3A_228] : memref<768x16xf32, #tpu.memory_space<vmem>> -> memref<128x16xf32, #tpu.memory_space<vmem>>
      %dma_wait3A_230 = arith.constant 0 : i32
      %dma_wait3A_231 = tpu.memref_slice %arg8[%dma_wait3A_226, %dma_wait3A_230] : memref<6x128xi32, #tpu.memory_space<vmem>> -> memref<1x128xi32, #tpu.memory_space<vmem>>
      %dma_wait3A_232 = tpu.memref_squeeze %dma_wait3A_231 : memref<1x128xi32, #tpu.memory_space<vmem>> -> memref<128xi32, #tpu.memory_space<vmem>>
      %dma_wait3A_233 = arith.constant 0 : i32
      %dma_wait3A_234 = arith.constant 0 : i32
      %dma_wait3A_235 = tpu.memref_slice %arg11[%dma_wait3A_233, %dma_wait3A_234] : memref<10240x16xf32, #tpu.memory_space<vmem_shared>> -> memref<10240x16xf32, #tpu.memory_space<vmem_shared>>
      tpu.wait_indirect_dma semaphore(%arg13 : memref<!tpu.dma_semaphore, #tpu.memory_space<semaphore_mem>>) src(%dma_wait3A_229 : memref<128x16xf32, #tpu.memory_space<vmem>>) dst(%dma_wait3A_235 : memref<10240x16xf32, #tpu.memory_space<vmem_shared>>)
      %dma_wait3A_236 = arith.constant 3 : i32
      %dma_wait3A_237 = arith.constant 384 : i32
      %dma_wait3A_238 = arith.constant 0 : i32
      %dma_wait3A_239 = tpu.memref_slice %arg9[%dma_wait3A_237, %dma_wait3A_238] : memref<768x16xf32, #tpu.memory_space<vmem>> -> memref<128x16xf32, #tpu.memory_space<vmem>>
      %dma_wait3A_240 = arith.constant 0 : i32
      %dma_wait3A_241 = tpu.memref_slice %arg8[%dma_wait3A_236, %dma_wait3A_240] : memref<6x128xi32, #tpu.memory_space<vmem>> -> memref<1x128xi32, #tpu.memory_space<vmem>>
      %dma_wait3A_242 = tpu.memref_squeeze %dma_wait3A_241 : memref<1x128xi32, #tpu.memory_space<vmem>> -> memref<128xi32, #tpu.memory_space<vmem>>
      %dma_wait3A_243 = arith.constant 0 : i32
      %dma_wait3A_244 = arith.constant 0 : i32
      %dma_wait3A_245 = tpu.memref_slice %arg11[%dma_wait3A_243, %dma_wait3A_244] : memref<10240x16xf32, #tpu.memory_space<vmem_shared>> -> memref<10240x16xf32, #tpu.memory_space<vmem_shared>>
      tpu.wait_indirect_dma semaphore(%arg13 : memref<!tpu.dma_semaphore, #tpu.memory_space<semaphore_mem>>) src(%dma_wait3A_239 : memref<128x16xf32, #tpu.memory_space<vmem>>) dst(%dma_wait3A_245 : memref<10240x16xf32, #tpu.memory_space<vmem_shared>>)
      %dma_wait3A_246 = arith.constant 4 : i32
      %dma_wait3A_247 = arith.constant 512 : i32
      %dma_wait3A_248 = arith.constant 0 : i32
      %dma_wait3A_249 = tpu.memref_slice %arg9[%dma_wait3A_247, %dma_wait3A_248] : memref<768x16xf32, #tpu.memory_space<vmem>> -> memref<128x16xf32, #tpu.memory_space<vmem>>
      %dma_wait3A_250 = arith.constant 0 : i32
      %dma_wait3A_251 = tpu.memref_slice %arg8[%dma_wait3A_246, %dma_wait3A_250] : memref<6x128xi32, #tpu.memory_space<vmem>> -> memref<1x128xi32, #tpu.memory_space<vmem>>
      %dma_wait3A_252 = tpu.memref_squeeze %dma_wait3A_251 : memref<1x128xi32, #tpu.memory_space<vmem>> -> memref<128xi32, #tpu.memory_space<vmem>>
      %dma_wait3A_253 = arith.constant 0 : i32
      %dma_wait3A_254 = arith.constant 0 : i32
      %dma_wait3A_255 = tpu.memref_slice %arg11[%dma_wait3A_253, %dma_wait3A_254] : memref<10240x16xf32, #tpu.memory_space<vmem_shared>> -> memref<10240x16xf32, #tpu.memory_space<vmem_shared>>
      tpu.wait_indirect_dma semaphore(%arg13 : memref<!tpu.dma_semaphore, #tpu.memory_space<semaphore_mem>>) src(%dma_wait3A_249 : memref<128x16xf32, #tpu.memory_space<vmem>>) dst(%dma_wait3A_255 : memref<10240x16xf32, #tpu.memory_space<vmem_shared>>)
      %dma_wait3A_256 = arith.constant 5 : i32
      %dma_wait3A_257 = arith.constant 640 : i32
      %dma_wait3A_258 = arith.constant 0 : i32
      %dma_wait3A_259 = tpu.memref_slice %arg9[%dma_wait3A_257, %dma_wait3A_258] : memref<768x16xf32, #tpu.memory_space<vmem>> -> memref<128x16xf32, #tpu.memory_space<vmem>>
      %dma_wait3A_260 = arith.constant 0 : i32
      %dma_wait3A_261 = tpu.memref_slice %arg8[%dma_wait3A_256, %dma_wait3A_260] : memref<6x128xi32, #tpu.memory_space<vmem>> -> memref<1x128xi32, #tpu.memory_space<vmem>>
      %dma_wait3A_262 = tpu.memref_squeeze %dma_wait3A_261 : memref<1x128xi32, #tpu.memory_space<vmem>> -> memref<128xi32, #tpu.memory_space<vmem>>
      %dma_wait3A_263 = arith.constant 0 : i32
      %dma_wait3A_264 = arith.constant 0 : i32
      %dma_wait3A_265 = tpu.memref_slice %arg11[%dma_wait3A_263, %dma_wait3A_264] : memref<10240x16xf32, #tpu.memory_space<vmem_shared>> -> memref<10240x16xf32, #tpu.memory_space<vmem_shared>>
      tpu.wait_indirect_dma semaphore(%arg13 : memref<!tpu.dma_semaphore, #tpu.memory_space<semaphore_mem>>) src(%dma_wait3A_259 : memref<128x16xf32, #tpu.memory_space<vmem>>) dst(%dma_wait3A_265 : memref<10240x16xf32, #tpu.memory_space<vmem_shared>>)
    }
    %scan3A_11 = arith.constant 13 : i32
    %lt3A_12 = arith.constant 4 : i32
    %lt3A_13 = arith.cmpi slt, %add3A, %lt3A_12 : i32
    %convert_element_type3A_14 = arith.extui %lt3A_13 : i1 to i32
    %cond3A_15 = arith.constant 0 : i32
    %cond3A_16 = arith.cmpi ne, %convert_element_type3A_14, %cond3A_15 : i32
    scf.if %cond3A_16 {
      %add3A_22 = arith.constant 2496 : i32
      %add3A_23 = arith.addi %add3A_22, %add3A : i32
      "tpu.region"() ({
        %run_scoped3A = tpu.sem_alloc : memref<!tpu.dma_semaphore, #tpu.memory_space<semaphore_mem>>
        %dma_start3A_62 = arith.constant 0 : i32
        %dma_start3A_63 = arith.constant 0 : i32
        %dma_start3A_64 = tpu.memref_slice %arg7[%dma_start3A_62, %dma_start3A_63] : memref<6x128xi32, #tpu.memory_space<vmem>> -> memref<1x128xi32, #tpu.memory_space<vmem>>
        %dma_start3A_65 = arith.constant 0 : i32
        %dma_start3A_66 = tpu.memref_slice %arg3[%add3A_23, %dma_start3A_65] : memref<2500x128xi32, #tpu.memory_space<hbm>> -> memref<1x128xi32, #tpu.memory_space<hbm>>
        %dma_start3A_67 = arith.constant 0 : i32
        %dma_start3A_68 = arith.constant 0 : i32
        %dma_start3A_69 = tpu.memref_slice %arg7[%dma_start3A_67, %dma_start3A_68] : memref<6x128xi32, #tpu.memory_space<vmem>> -> memref<1x128xi32, #tpu.memory_space<vmem>>
        %dma_start3A_70 = arith.constant 0 : i32
        %dma_start3A_71 = tpu.memref_slice %arg3[%add3A_23, %dma_start3A_70] : memref<2500x128xi32, #tpu.memory_space<hbm>> -> memref<1x128xi32, #tpu.memory_space<hbm>>
        tpu.enqueue_dma source(%dma_start3A_71 : memref<1x128xi32, #tpu.memory_space<hbm>>) target(%dma_start3A_69 : memref<1x128xi32, #tpu.memory_space<vmem>>) target_semaphore(%run_scoped3A : memref<!tpu.dma_semaphore, #tpu.memory_space<semaphore_mem>>)
        %dma_wait3A_72 = arith.constant 0 : i32
        %dma_wait3A_73 = arith.constant 0 : i32
        %dma_wait3A_74 = tpu.memref_slice %arg7[%dma_wait3A_72, %dma_wait3A_73] : memref<6x128xi32, #tpu.memory_space<vmem>> -> memref<1x128xi32, #tpu.memory_space<vmem>>
        %dma_wait3A_75 = arith.constant 0 : i32
        %dma_wait3A_76 = tpu.memref_slice %arg3[%add3A_23, %dma_wait3A_75] : memref<2500x128xi32, #tpu.memory_space<hbm>> -> memref<1x128xi32, #tpu.memory_space<hbm>>
        %dma_wait3A_77 = arith.constant 0 : i32
        %dma_wait3A_78 = arith.constant 0 : i32
        %dma_wait3A_79 = tpu.memref_slice %arg7[%dma_wait3A_77, %dma_wait3A_78] : memref<6x128xi32, #tpu.memory_space<vmem>> -> memref<1x128xi32, #tpu.memory_space<vmem>>
        %dma_wait3A_80 = arith.constant 0 : i32
        %dma_wait3A_81 = tpu.memref_slice %arg3[%add3A_23, %dma_wait3A_80] : memref<2500x128xi32, #tpu.memory_space<hbm>> -> memref<1x128xi32, #tpu.memory_space<hbm>>
        tpu.wait_dma2 semaphore(%run_scoped3A : memref<!tpu.dma_semaphore, #tpu.memory_space<semaphore_mem>>) src(%dma_wait3A_81 : memref<1x128xi32, #tpu.memory_space<hbm>>) dst(%dma_wait3A_79 : memref<1x128xi32, #tpu.memory_space<vmem>>)
        tpu.yield
      }) : () -> ()
      "tpu.region"() ({
        %run_scoped3A = tpu.sem_alloc : memref<!tpu.dma_semaphore, #tpu.memory_space<semaphore_mem>>
        %dma_start3A_62 = arith.constant 0 : i32
        %dma_start3A_63 = arith.constant 0 : i32
        %dma_start3A_64 = tpu.memref_slice %arg8[%dma_start3A_62, %dma_start3A_63] : memref<6x128xi32, #tpu.memory_space<vmem>> -> memref<1x128xi32, #tpu.memory_space<vmem>>
        %dma_start3A_65 = arith.constant 0 : i32
        %dma_start3A_66 = tpu.memref_slice %arg4[%add3A_23, %dma_start3A_65] : memref<2500x128xi32, #tpu.memory_space<hbm>> -> memref<1x128xi32, #tpu.memory_space<hbm>>
        %dma_start3A_67 = arith.constant 0 : i32
        %dma_start3A_68 = arith.constant 0 : i32
        %dma_start3A_69 = tpu.memref_slice %arg8[%dma_start3A_67, %dma_start3A_68] : memref<6x128xi32, #tpu.memory_space<vmem>> -> memref<1x128xi32, #tpu.memory_space<vmem>>
        %dma_start3A_70 = arith.constant 0 : i32
        %dma_start3A_71 = tpu.memref_slice %arg4[%add3A_23, %dma_start3A_70] : memref<2500x128xi32, #tpu.memory_space<hbm>> -> memref<1x128xi32, #tpu.memory_space<hbm>>
        tpu.enqueue_dma source(%dma_start3A_71 : memref<1x128xi32, #tpu.memory_space<hbm>>) target(%dma_start3A_69 : memref<1x128xi32, #tpu.memory_space<vmem>>) target_semaphore(%run_scoped3A : memref<!tpu.dma_semaphore, #tpu.memory_space<semaphore_mem>>)
        %dma_wait3A_72 = arith.constant 0 : i32
        %dma_wait3A_73 = arith.constant 0 : i32
        %dma_wait3A_74 = tpu.memref_slice %arg8[%dma_wait3A_72, %dma_wait3A_73] : memref<6x128xi32, #tpu.memory_space<vmem>> -> memref<1x128xi32, #tpu.memory_space<vmem>>
        %dma_wait3A_75 = arith.constant 0 : i32
        %dma_wait3A_76 = tpu.memref_slice %arg4[%add3A_23, %dma_wait3A_75] : memref<2500x128xi32, #tpu.memory_space<hbm>> -> memref<1x128xi32, #tpu.memory_space<hbm>>
        %dma_wait3A_77 = arith.constant 0 : i32
        %dma_wait3A_78 = arith.constant 0 : i32
        %dma_wait3A_79 = tpu.memref_slice %arg8[%dma_wait3A_77, %dma_wait3A_78] : memref<6x128xi32, #tpu.memory_space<vmem>> -> memref<1x128xi32, #tpu.memory_space<vmem>>
        %dma_wait3A_80 = arith.constant 0 : i32
        %dma_wait3A_81 = tpu.memref_slice %arg4[%add3A_23, %dma_wait3A_80] : memref<2500x128xi32, #tpu.memory_space<hbm>> -> memref<1x128xi32, #tpu.memory_space<hbm>>
        tpu.wait_dma2 semaphore(%run_scoped3A : memref<!tpu.dma_semaphore, #tpu.memory_space<semaphore_mem>>) src(%dma_wait3A_81 : memref<1x128xi32, #tpu.memory_space<hbm>>) dst(%dma_wait3A_79 : memref<1x128xi32, #tpu.memory_space<vmem>>)
        tpu.yield
      }) : () -> ()
      %dma_start3A = arith.constant 0 : i32
      %dma_start3A_24 = arith.constant 0 : i32
      %dma_start3A_25 = arith.constant 0 : i32
      %dma_start3A_26 = tpu.memref_slice %arg9[%dma_start3A_24, %dma_start3A_25] : memref<768x16xf32, #tpu.memory_space<vmem>> -> memref<128x16xf32, #tpu.memory_space<vmem>>
      %dma_start3A_27 = arith.constant 0 : i32
      %dma_start3A_28 = tpu.memref_slice %arg7[%dma_start3A, %dma_start3A_27] : memref<6x128xi32, #tpu.memory_space<vmem>> -> memref<1x128xi32, #tpu.memory_space<vmem>>
      %dma_start3A_29 = tpu.memref_squeeze %dma_start3A_28 : memref<1x128xi32, #tpu.memory_space<vmem>> -> memref<128xi32, #tpu.memory_space<vmem>>
      %dma_start3A_30 = arith.constant 0 : i32
      %dma_start3A_31 = arith.constant 0 : i32
      %dma_start3A_32 = tpu.memref_slice %arg10[%dma_start3A_30, %dma_start3A_31] : memref<10000x16xf32, #tpu.memory_space<vmem_shared>> -> memref<10000x16xf32, #tpu.memory_space<vmem_shared>>
      tpu.enqueue_indirect_dma source(%dma_start3A_32 : memref<10000x16xf32, #tpu.memory_space<vmem_shared>>) target(%dma_start3A_26 : memref<128x16xf32, #tpu.memory_space<vmem>>) offsets(%dma_start3A_29 : memref<128xi32, #tpu.memory_space<vmem>>) semaphore(%arg12 : memref<!tpu.dma_semaphore, #tpu.memory_space<semaphore_mem>>)
      %dma_wait3A = arith.constant 0 : i32
      %dma_wait3A_33 = arith.constant 0 : i32
      %dma_wait3A_34 = arith.constant 0 : i32
      %dma_wait3A_35 = tpu.memref_slice %arg9[%dma_wait3A_33, %dma_wait3A_34] : memref<768x16xf32, #tpu.memory_space<vmem>> -> memref<128x16xf32, #tpu.memory_space<vmem>>
      %dma_wait3A_36 = arith.constant 0 : i32
      %dma_wait3A_37 = tpu.memref_slice %arg7[%dma_wait3A, %dma_wait3A_36] : memref<6x128xi32, #tpu.memory_space<vmem>> -> memref<1x128xi32, #tpu.memory_space<vmem>>
      %dma_wait3A_38 = tpu.memref_squeeze %dma_wait3A_37 : memref<1x128xi32, #tpu.memory_space<vmem>> -> memref<128xi32, #tpu.memory_space<vmem>>
      %dma_wait3A_39 = arith.constant 0 : i32
      %dma_wait3A_40 = arith.constant 0 : i32
      %dma_wait3A_41 = tpu.memref_slice %arg10[%dma_wait3A_39, %dma_wait3A_40] : memref<10000x16xf32, #tpu.memory_space<vmem_shared>> -> memref<10000x16xf32, #tpu.memory_space<vmem_shared>>
      tpu.wait_indirect_dma semaphore(%arg12 : memref<!tpu.dma_semaphore, #tpu.memory_space<semaphore_mem>>) src(%dma_wait3A_41 : memref<10000x16xf32, #tpu.memory_space<vmem_shared>>) dst(%dma_wait3A_35 : memref<128x16xf32, #tpu.memory_space<vmem>>)
      %dma_start3A_42 = arith.constant 0 : i32
      %dma_start3A_43 = arith.constant 0 : i32
      %dma_start3A_44 = arith.constant 0 : i32
      %dma_start3A_45 = tpu.memref_slice %arg9[%dma_start3A_43, %dma_start3A_44] : memref<768x16xf32, #tpu.memory_space<vmem>> -> memref<128x16xf32, #tpu.memory_space<vmem>>
      %dma_start3A_46 = arith.constant 0 : i32
      %dma_start3A_47 = tpu.memref_slice %arg8[%dma_start3A_42, %dma_start3A_46] : memref<6x128xi32, #tpu.memory_space<vmem>> -> memref<1x128xi32, #tpu.memory_space<vmem>>
      %dma_start3A_48 = tpu.memref_squeeze %dma_start3A_47 : memref<1x128xi32, #tpu.memory_space<vmem>> -> memref<128xi32, #tpu.memory_space<vmem>>
      %dma_start3A_49 = arith.constant 0 : i32
      %dma_start3A_50 = arith.constant 0 : i32
      %dma_start3A_51 = tpu.memref_slice %arg11[%dma_start3A_49, %dma_start3A_50] : memref<10240x16xf32, #tpu.memory_space<vmem_shared>> -> memref<10240x16xf32, #tpu.memory_space<vmem_shared>>
      tpu.enqueue_indirect_dma source(%dma_start3A_45 : memref<128x16xf32, #tpu.memory_space<vmem>>) target(%dma_start3A_51 : memref<10240x16xf32, #tpu.memory_space<vmem_shared>>) offsets(%dma_start3A_48 : memref<128xi32, #tpu.memory_space<vmem>>) semaphore(%arg13 : memref<!tpu.dma_semaphore, #tpu.memory_space<semaphore_mem>>) {add = true}
      %dma_wait3A_52 = arith.constant 0 : i32
      %dma_wait3A_53 = arith.constant 0 : i32
      %dma_wait3A_54 = arith.constant 0 : i32
      %dma_wait3A_55 = tpu.memref_slice %arg9[%dma_wait3A_53, %dma_wait3A_54] : memref<768x16xf32, #tpu.memory_space<vmem>> -> memref<128x16xf32, #tpu.memory_space<vmem>>
      %dma_wait3A_56 = arith.constant 0 : i32
      %dma_wait3A_57 = tpu.memref_slice %arg8[%dma_wait3A_52, %dma_wait3A_56] : memref<6x128xi32, #tpu.memory_space<vmem>> -> memref<1x128xi32, #tpu.memory_space<vmem>>
      %dma_wait3A_58 = tpu.memref_squeeze %dma_wait3A_57 : memref<1x128xi32, #tpu.memory_space<vmem>> -> memref<128xi32, #tpu.memory_space<vmem>>
      %dma_wait3A_59 = arith.constant 0 : i32
      %dma_wait3A_60 = arith.constant 0 : i32
      %dma_wait3A_61 = tpu.memref_slice %arg11[%dma_wait3A_59, %dma_wait3A_60] : memref<10240x16xf32, #tpu.memory_space<vmem_shared>> -> memref<10240x16xf32, #tpu.memory_space<vmem_shared>>
      tpu.wait_indirect_dma semaphore(%arg13 : memref<!tpu.dma_semaphore, #tpu.memory_space<semaphore_mem>>) src(%dma_wait3A_55 : memref<128x16xf32, #tpu.memory_space<vmem>>) dst(%dma_wait3A_61 : memref<10240x16xf32, #tpu.memory_space<vmem_shared>>)
    } else {
    }
    %barrier3A_17 = arith.constant 0 : index
    tpu.barrier barrier_id(%barrier3A_17)
    %mul3A_18 = arith.constant 640 : i32
    %mul3A_19 = arith.muli %arg1, %mul3A_18 : i32
    %mul3A_20 = arith.constant 640 : i32
    %mul3A_21 = arith.muli %arg1, %mul3A_20 : i32
    "tpu.region"() ({
      %run_scoped3A = tpu.sem_alloc : memref<!tpu.dma_semaphore, #tpu.memory_space<semaphore_mem>>
      %dma_start3A = arith.constant 0 : i32
      %dma_start3A_22 = arith.constant 0 : i32
      %dma_start3A_23 = tpu.memref_slice %arg6[%arg0, %dma_start3A, %dma_start3A_22] : memref<2x10240x16xf32, #tpu.memory_space<hbm>> -> memref<1x10240x16xf32, #tpu.memory_space<hbm>>
      %dma_start3A_24 = tpu.memref_squeeze %dma_start3A_23 : memref<1x10240x16xf32, #tpu.memory_space<hbm>> -> memref<10240x16xf32, #tpu.memory_space<hbm>>
      %dma_start3A_25 = arith.constant 0 : i32
      %dma_start3A_26 = tpu.memref_slice %dma_start3A_24[%mul3A_21, %dma_start3A_25] : memref<10240x16xf32, #tpu.memory_space<hbm>> -> memref<640x16xf32, #tpu.memory_space<hbm>>
      %dma_start3A_27 = arith.constant 0 : i32
      %dma_start3A_28 = tpu.memref_slice %arg11[%mul3A_19, %dma_start3A_27] : memref<10240x16xf32, #tpu.memory_space<vmem_shared>> -> memref<640x16xf32, #tpu.memory_space<vmem_shared>>
      tpu.enqueue_dma source(%dma_start3A_28 : memref<640x16xf32, #tpu.memory_space<vmem_shared>>) target(%dma_start3A_26 : memref<640x16xf32, #tpu.memory_space<hbm>>) target_semaphore(%run_scoped3A : memref<!tpu.dma_semaphore, #tpu.memory_space<semaphore_mem>>)
      %dma_wait3A = arith.constant 0 : i32
      %dma_wait3A_29 = arith.constant 0 : i32
      %dma_wait3A_30 = tpu.memref_slice %arg6[%arg0, %dma_wait3A, %dma_wait3A_29] : memref<2x10240x16xf32, #tpu.memory_space<hbm>> -> memref<1x10240x16xf32, #tpu.memory_space<hbm>>
      %dma_wait3A_31 = tpu.memref_squeeze %dma_wait3A_30 : memref<1x10240x16xf32, #tpu.memory_space<hbm>> -> memref<10240x16xf32, #tpu.memory_space<hbm>>
      %dma_wait3A_32 = arith.constant 0 : i32
      %dma_wait3A_33 = tpu.memref_slice %dma_wait3A_31[%mul3A_21, %dma_wait3A_32] : memref<10240x16xf32, #tpu.memory_space<hbm>> -> memref<640x16xf32, #tpu.memory_space<hbm>>
      %dma_wait3A_34 = arith.constant 0 : i32
      %dma_wait3A_35 = tpu.memref_slice %arg11[%mul3A_19, %dma_wait3A_34] : memref<10240x16xf32, #tpu.memory_space<vmem_shared>> -> memref<640x16xf32, #tpu.memory_space<vmem_shared>>
      tpu.wait_dma2 semaphore(%run_scoped3A : memref<!tpu.dma_semaphore, #tpu.memory_space<semaphore_mem>>) src(%dma_wait3A_35 : memref<640x16xf32, #tpu.memory_space<vmem_shared>>) dst(%dma_wait3A_33 : memref<640x16xf32, #tpu.memory_space<hbm>>)
      tpu.yield
    }) : () -> ()
    return
  }
}

#map = affine_map<(d0, d1) -> (0, 0)>
#map1 = affine_map<(d0, d1) -> (0, 0, 0)>
module attributes {stable_mosaic.version = 14 : i64} {
  func.func @_sc_scatter_body(%arg0: i32, %arg1: i32, %arg2: memref<320000x16xf32, #tpu.memory_space<hbm>>, %arg3: memref<2500x128xi32, #tpu.memory_space<hbm>>, %arg4: memref<10240x16xf32, #tpu.memory_space<hbm>>, %arg5: memref<2x10240x16xf32, #tpu.memory_space<hbm>>, %arg6: memref<6x128xi32, #tpu.memory_space<vmem>>, %arg7: memref<768x16xf32, #tpu.memory_space<vmem>>, %arg8: memref<10240x16xf32, #tpu.memory_space<vmem_shared>>, %arg9: memref<!tpu.dma_semaphore, #tpu.memory_space<semaphore_mem>>) attributes {dimension_semantics = [#tpu.dimension_semantics<core_parallel>, #tpu.dimension_semantics<subcore_parallel>], iteration_bounds = array<i64: 2, 16>, scalar_prefetch = 0 : i64, scratch_operands = 4 : i64, tpu.core_type = #tpu.core_type<sc_vector_subcore>, window_params = [{transform_indices = #map}, {transform_indices = #map}, {transform_indices = #map}, {transform_indices = #map1}]} {
    %mul3A = arith.constant 16 : i32
    %mul3A_0 = arith.muli %arg0, %mul3A : i32
    %add3A = arith.addi %mul3A_0, %arg1 : i32
    %eq3A = arith.constant 0 : i32
    %eq3A_1 = arith.cmpi eq, %arg1, %eq3A : i32
    %convert_element_type3A = arith.extui %eq3A_1 : i1 to i32
    %cond3A = arith.constant 0 : i32
    %cond3A_2 = arith.cmpi ne, %convert_element_type3A, %cond3A : i32
    scf.if %cond3A_2 {
      "tpu.region"() ({
        %run_scoped3A = tpu.sem_alloc : memref<!tpu.dma_semaphore, #tpu.memory_space<semaphore_mem>>
        tpu.enqueue_dma source(%arg4 : memref<10240x16xf32, #tpu.memory_space<hbm>>) target(%arg8 : memref<10240x16xf32, #tpu.memory_space<vmem_shared>>) target_semaphore(%run_scoped3A : memref<!tpu.dma_semaphore, #tpu.memory_space<semaphore_mem>>)
        tpu.wait_dma2 semaphore(%run_scoped3A : memref<!tpu.dma_semaphore, #tpu.memory_space<semaphore_mem>>) src(%arg4 : memref<10240x16xf32, #tpu.memory_space<hbm>>) dst(%arg8 : memref<10240x16xf32, #tpu.memory_space<vmem_shared>>)
        tpu.yield
      }) : () -> ()
    } else {
    }
    %barrier3A = arith.constant 0 : index
    tpu.barrier barrier_id(%barrier3A)
    %scan3A = arith.constant 0 : i32
    %scan3A_3 = arith.constant 0 : i32
    %scan3A_4 = arith.constant 13 : i32
    %scan3A_5 = arith.addi %scan3A_3, %scan3A_4 : i32
    %scan3A_6 = arith.constant 1 : i32
    scf.for %scan3A_17 = %scan3A_3 to %scan3A_5 step %scan3A_6  : i32 {
      %mul3A_18 = arith.constant 78 : i32
      %mul3A_19 = arith.muli %add3A, %mul3A_18 : i32
      %mul3A_20 = arith.constant 6 : i32
      %mul3A_21 = arith.muli %scan3A_17, %mul3A_20 : i32
      %add3A_22 = arith.addi %mul3A_19, %mul3A_21 : i32
      "tpu.region"() ({
        %run_scoped3A = tpu.sem_alloc : memref<!tpu.dma_semaphore, #tpu.memory_space<semaphore_mem>>
        %dma_start3A_143 = arith.constant 0 : i32
        %dma_start3A_144 = tpu.memref_slice %arg3[%add3A_22, %dma_start3A_143] : memref<2500x128xi32, #tpu.memory_space<hbm>> -> memref<6x128xi32, #tpu.memory_space<hbm>>
        %dma_start3A_145 = arith.constant 0 : i32
        %dma_start3A_146 = tpu.memref_slice %arg3[%add3A_22, %dma_start3A_145] : memref<2500x128xi32, #tpu.memory_space<hbm>> -> memref<6x128xi32, #tpu.memory_space<hbm>>
        tpu.enqueue_dma source(%dma_start3A_146 : memref<6x128xi32, #tpu.memory_space<hbm>>) target(%arg6 : memref<6x128xi32, #tpu.memory_space<vmem>>) target_semaphore(%run_scoped3A : memref<!tpu.dma_semaphore, #tpu.memory_space<semaphore_mem>>)
        %dma_wait3A_147 = arith.constant 0 : i32
        %dma_wait3A_148 = tpu.memref_slice %arg3[%add3A_22, %dma_wait3A_147] : memref<2500x128xi32, #tpu.memory_space<hbm>> -> memref<6x128xi32, #tpu.memory_space<hbm>>
        %dma_wait3A_149 = arith.constant 0 : i32
        %dma_wait3A_150 = tpu.memref_slice %arg3[%add3A_22, %dma_wait3A_149] : memref<2500x128xi32, #tpu.memory_space<hbm>> -> memref<6x128xi32, #tpu.memory_space<hbm>>
        tpu.wait_dma2 semaphore(%run_scoped3A : memref<!tpu.dma_semaphore, #tpu.memory_space<semaphore_mem>>) src(%dma_wait3A_150 : memref<6x128xi32, #tpu.memory_space<hbm>>) dst(%arg6 : memref<6x128xi32, #tpu.memory_space<vmem>>)
        tpu.yield
      }) : () -> ()
      %mul3A_23 = arith.constant 128 : i32
      %mul3A_24 = arith.muli %add3A_22, %mul3A_23 : i32
      "tpu.region"() ({
        %run_scoped3A = tpu.sem_alloc : memref<!tpu.dma_semaphore, #tpu.memory_space<semaphore_mem>>
        %dma_start3A_143 = arith.constant 0 : i32
        %dma_start3A_144 = tpu.memref_slice %arg2[%mul3A_24, %dma_start3A_143] : memref<320000x16xf32, #tpu.memory_space<hbm>> -> memref<768x16xf32, #tpu.memory_space<hbm>>
        %dma_start3A_145 = arith.constant 0 : i32
        %dma_start3A_146 = tpu.memref_slice %arg2[%mul3A_24, %dma_start3A_145] : memref<320000x16xf32, #tpu.memory_space<hbm>> -> memref<768x16xf32, #tpu.memory_space<hbm>>
        tpu.enqueue_dma source(%dma_start3A_146 : memref<768x16xf32, #tpu.memory_space<hbm>>) target(%arg7 : memref<768x16xf32, #tpu.memory_space<vmem>>) target_semaphore(%run_scoped3A : memref<!tpu.dma_semaphore, #tpu.memory_space<semaphore_mem>>)
        %dma_wait3A_147 = arith.constant 0 : i32
        %dma_wait3A_148 = tpu.memref_slice %arg2[%mul3A_24, %dma_wait3A_147] : memref<320000x16xf32, #tpu.memory_space<hbm>> -> memref<768x16xf32, #tpu.memory_space<hbm>>
        %dma_wait3A_149 = arith.constant 0 : i32
        %dma_wait3A_150 = tpu.memref_slice %arg2[%mul3A_24, %dma_wait3A_149] : memref<320000x16xf32, #tpu.memory_space<hbm>> -> memref<768x16xf32, #tpu.memory_space<hbm>>
        tpu.wait_dma2 semaphore(%run_scoped3A : memref<!tpu.dma_semaphore, #tpu.memory_space<semaphore_mem>>) src(%dma_wait3A_150 : memref<768x16xf32, #tpu.memory_space<hbm>>) dst(%arg7 : memref<768x16xf32, #tpu.memory_space<vmem>>)
        tpu.yield
      }) : () -> ()
      %dma_start3A = arith.constant 0 : i32
      %dma_start3A_25 = arith.constant 0 : i32
      %dma_start3A_26 = arith.constant 0 : i32
      %dma_start3A_27 = tpu.memref_slice %arg7[%dma_start3A_25, %dma_start3A_26] : memref<768x16xf32, #tpu.memory_space<vmem>> -> memref<128x16xf32, #tpu.memory_space<vmem>>
      %dma_start3A_28 = arith.constant 0 : i32
      %dma_start3A_29 = tpu.memref_slice %arg6[%dma_start3A, %dma_start3A_28] : memref<6x128xi32, #tpu.memory_space<vmem>> -> memref<1x128xi32, #tpu.memory_space<vmem>>
      %dma_start3A_30 = tpu.memref_squeeze %dma_start3A_29 : memref<1x128xi32, #tpu.memory_space<vmem>> -> memref<128xi32, #tpu.memory_space<vmem>>
      %dma_start3A_31 = arith.constant 0 : i32
      %dma_start3A_32 = arith.constant 0 : i32
      %dma_start3A_33 = tpu.memref_slice %arg8[%dma_start3A_31, %dma_start3A_32] : memref<10240x16xf32, #tpu.memory_space<vmem_shared>> -> memref<10240x16xf32, #tpu.memory_space<vmem_shared>>
      tpu.enqueue_indirect_dma source(%dma_start3A_27 : memref<128x16xf32, #tpu.memory_space<vmem>>) target(%dma_start3A_33 : memref<10240x16xf32, #tpu.memory_space<vmem_shared>>) offsets(%dma_start3A_30 : memref<128xi32, #tpu.memory_space<vmem>>) semaphore(%arg9 : memref<!tpu.dma_semaphore, #tpu.memory_space<semaphore_mem>>) {add = true}
      %dma_start3A_34 = arith.constant 1 : i32
      %dma_start3A_35 = arith.constant 128 : i32
      %dma_start3A_36 = arith.constant 0 : i32
      %dma_start3A_37 = tpu.memref_slice %arg7[%dma_start3A_35, %dma_start3A_36] : memref<768x16xf32, #tpu.memory_space<vmem>> -> memref<128x16xf32, #tpu.memory_space<vmem>>
      %dma_start3A_38 = arith.constant 0 : i32
      %dma_start3A_39 = tpu.memref_slice %arg6[%dma_start3A_34, %dma_start3A_38] : memref<6x128xi32, #tpu.memory_space<vmem>> -> memref<1x128xi32, #tpu.memory_space<vmem>>
      %dma_start3A_40 = tpu.memref_squeeze %dma_start3A_39 : memref<1x128xi32, #tpu.memory_space<vmem>> -> memref<128xi32, #tpu.memory_space<vmem>>
      %dma_start3A_41 = arith.constant 0 : i32
      %dma_start3A_42 = arith.constant 0 : i32
      %dma_start3A_43 = tpu.memref_slice %arg8[%dma_start3A_41, %dma_start3A_42] : memref<10240x16xf32, #tpu.memory_space<vmem_shared>> -> memref<10240x16xf32, #tpu.memory_space<vmem_shared>>
      tpu.enqueue_indirect_dma source(%dma_start3A_37 : memref<128x16xf32, #tpu.memory_space<vmem>>) target(%dma_start3A_43 : memref<10240x16xf32, #tpu.memory_space<vmem_shared>>) offsets(%dma_start3A_40 : memref<128xi32, #tpu.memory_space<vmem>>) semaphore(%arg9 : memref<!tpu.dma_semaphore, #tpu.memory_space<semaphore_mem>>) {add = true}
      %dma_start3A_44 = arith.constant 2 : i32
      %dma_start3A_45 = arith.constant 256 : i32
      %dma_start3A_46 = arith.constant 0 : i32
      %dma_start3A_47 = tpu.memref_slice %arg7[%dma_start3A_45, %dma_start3A_46] : memref<768x16xf32, #tpu.memory_space<vmem>> -> memref<128x16xf32, #tpu.memory_space<vmem>>
      %dma_start3A_48 = arith.constant 0 : i32
      %dma_start3A_49 = tpu.memref_slice %arg6[%dma_start3A_44, %dma_start3A_48] : memref<6x128xi32, #tpu.memory_space<vmem>> -> memref<1x128xi32, #tpu.memory_space<vmem>>
      %dma_start3A_50 = tpu.memref_squeeze %dma_start3A_49 : memref<1x128xi32, #tpu.memory_space<vmem>> -> memref<128xi32, #tpu.memory_space<vmem>>
      %dma_start3A_51 = arith.constant 0 : i32
      %dma_start3A_52 = arith.constant 0 : i32
      %dma_start3A_53 = tpu.memref_slice %arg8[%dma_start3A_51, %dma_start3A_52] : memref<10240x16xf32, #tpu.memory_space<vmem_shared>> -> memref<10240x16xf32, #tpu.memory_space<vmem_shared>>
      tpu.enqueue_indirect_dma source(%dma_start3A_47 : memref<128x16xf32, #tpu.memory_space<vmem>>) target(%dma_start3A_53 : memref<10240x16xf32, #tpu.memory_space<vmem_shared>>) offsets(%dma_start3A_50 : memref<128xi32, #tpu.memory_space<vmem>>) semaphore(%arg9 : memref<!tpu.dma_semaphore, #tpu.memory_space<semaphore_mem>>) {add = true}
      %dma_start3A_54 = arith.constant 3 : i32
      %dma_start3A_55 = arith.constant 384 : i32
      %dma_start3A_56 = arith.constant 0 : i32
      %dma_start3A_57 = tpu.memref_slice %arg7[%dma_start3A_55, %dma_start3A_56] : memref<768x16xf32, #tpu.memory_space<vmem>> -> memref<128x16xf32, #tpu.memory_space<vmem>>
      %dma_start3A_58 = arith.constant 0 : i32
      %dma_start3A_59 = tpu.memref_slice %arg6[%dma_start3A_54, %dma_start3A_58] : memref<6x128xi32, #tpu.memory_space<vmem>> -> memref<1x128xi32, #tpu.memory_space<vmem>>
      %dma_start3A_60 = tpu.memref_squeeze %dma_start3A_59 : memref<1x128xi32, #tpu.memory_space<vmem>> -> memref<128xi32, #tpu.memory_space<vmem>>
      %dma_start3A_61 = arith.constant 0 : i32
      %dma_start3A_62 = arith.constant 0 : i32
      %dma_start3A_63 = tpu.memref_slice %arg8[%dma_start3A_61, %dma_start3A_62] : memref<10240x16xf32, #tpu.memory_space<vmem_shared>> -> memref<10240x16xf32, #tpu.memory_space<vmem_shared>>
      tpu.enqueue_indirect_dma source(%dma_start3A_57 : memref<128x16xf32, #tpu.memory_space<vmem>>) target(%dma_start3A_63 : memref<10240x16xf32, #tpu.memory_space<vmem_shared>>) offsets(%dma_start3A_60 : memref<128xi32, #tpu.memory_space<vmem>>) semaphore(%arg9 : memref<!tpu.dma_semaphore, #tpu.memory_space<semaphore_mem>>) {add = true}
      %dma_start3A_64 = arith.constant 4 : i32
      %dma_start3A_65 = arith.constant 512 : i32
      %dma_start3A_66 = arith.constant 0 : i32
      %dma_start3A_67 = tpu.memref_slice %arg7[%dma_start3A_65, %dma_start3A_66] : memref<768x16xf32, #tpu.memory_space<vmem>> -> memref<128x16xf32, #tpu.memory_space<vmem>>
      %dma_start3A_68 = arith.constant 0 : i32
      %dma_start3A_69 = tpu.memref_slice %arg6[%dma_start3A_64, %dma_start3A_68] : memref<6x128xi32, #tpu.memory_space<vmem>> -> memref<1x128xi32, #tpu.memory_space<vmem>>
      %dma_start3A_70 = tpu.memref_squeeze %dma_start3A_69 : memref<1x128xi32, #tpu.memory_space<vmem>> -> memref<128xi32, #tpu.memory_space<vmem>>
      %dma_start3A_71 = arith.constant 0 : i32
      %dma_start3A_72 = arith.constant 0 : i32
      %dma_start3A_73 = tpu.memref_slice %arg8[%dma_start3A_71, %dma_start3A_72] : memref<10240x16xf32, #tpu.memory_space<vmem_shared>> -> memref<10240x16xf32, #tpu.memory_space<vmem_shared>>
      tpu.enqueue_indirect_dma source(%dma_start3A_67 : memref<128x16xf32, #tpu.memory_space<vmem>>) target(%dma_start3A_73 : memref<10240x16xf32, #tpu.memory_space<vmem_shared>>) offsets(%dma_start3A_70 : memref<128xi32, #tpu.memory_space<vmem>>) semaphore(%arg9 : memref<!tpu.dma_semaphore, #tpu.memory_space<semaphore_mem>>) {add = true}
      %dma_start3A_74 = arith.constant 5 : i32
      %dma_start3A_75 = arith.constant 640 : i32
      %dma_start3A_76 = arith.constant 0 : i32
      %dma_start3A_77 = tpu.memref_slice %arg7[%dma_start3A_75, %dma_start3A_76] : memref<768x16xf32, #tpu.memory_space<vmem>> -> memref<128x16xf32, #tpu.memory_space<vmem>>
      %dma_start3A_78 = arith.constant 0 : i32
      %dma_start3A_79 = tpu.memref_slice %arg6[%dma_start3A_74, %dma_start3A_78] : memref<6x128xi32, #tpu.memory_space<vmem>> -> memref<1x128xi32, #tpu.memory_space<vmem>>
      %dma_start3A_80 = tpu.memref_squeeze %dma_start3A_79 : memref<1x128xi32, #tpu.memory_space<vmem>> -> memref<128xi32, #tpu.memory_space<vmem>>
      %dma_start3A_81 = arith.constant 0 : i32
      %dma_start3A_82 = arith.constant 0 : i32
      %dma_start3A_83 = tpu.memref_slice %arg8[%dma_start3A_81, %dma_start3A_82] : memref<10240x16xf32, #tpu.memory_space<vmem_shared>> -> memref<10240x16xf32, #tpu.memory_space<vmem_shared>>
      tpu.enqueue_indirect_dma source(%dma_start3A_77 : memref<128x16xf32, #tpu.memory_space<vmem>>) target(%dma_start3A_83 : memref<10240x16xf32, #tpu.memory_space<vmem_shared>>) offsets(%dma_start3A_80 : memref<128xi32, #tpu.memory_space<vmem>>) semaphore(%arg9 : memref<!tpu.dma_semaphore, #tpu.memory_space<semaphore_mem>>) {add = true}
      %dma_wait3A = arith.constant 0 : i32
      %dma_wait3A_84 = arith.constant 0 : i32
      %dma_wait3A_85 = arith.constant 0 : i32
      %dma_wait3A_86 = tpu.memref_slice %arg7[%dma_wait3A_84, %dma_wait3A_85] : memref<768x16xf32, #tpu.memory_space<vmem>> -> memref<128x16xf32, #tpu.memory_space<vmem>>
      %dma_wait3A_87 = arith.constant 0 : i32
      %dma_wait3A_88 = tpu.memref_slice %arg6[%dma_wait3A, %dma_wait3A_87] : memref<6x128xi32, #tpu.memory_space<vmem>> -> memref<1x128xi32, #tpu.memory_space<vmem>>
      %dma_wait3A_89 = tpu.memref_squeeze %dma_wait3A_88 : memref<1x128xi32, #tpu.memory_space<vmem>> -> memref<128xi32, #tpu.memory_space<vmem>>
      %dma_wait3A_90 = arith.constant 0 : i32
      %dma_wait3A_91 = arith.constant 0 : i32
      %dma_wait3A_92 = tpu.memref_slice %arg8[%dma_wait3A_90, %dma_wait3A_91] : memref<10240x16xf32, #tpu.memory_space<vmem_shared>> -> memref<10240x16xf32, #tpu.memory_space<vmem_shared>>
      tpu.wait_indirect_dma semaphore(%arg9 : memref<!tpu.dma_semaphore, #tpu.memory_space<semaphore_mem>>) src(%dma_wait3A_86 : memref<128x16xf32, #tpu.memory_space<vmem>>) dst(%dma_wait3A_92 : memref<10240x16xf32, #tpu.memory_space<vmem_shared>>)
      %dma_wait3A_93 = arith.constant 1 : i32
      %dma_wait3A_94 = arith.constant 128 : i32
      %dma_wait3A_95 = arith.constant 0 : i32
      %dma_wait3A_96 = tpu.memref_slice %arg7[%dma_wait3A_94, %dma_wait3A_95] : memref<768x16xf32, #tpu.memory_space<vmem>> -> memref<128x16xf32, #tpu.memory_space<vmem>>
      %dma_wait3A_97 = arith.constant 0 : i32
      %dma_wait3A_98 = tpu.memref_slice %arg6[%dma_wait3A_93, %dma_wait3A_97] : memref<6x128xi32, #tpu.memory_space<vmem>> -> memref<1x128xi32, #tpu.memory_space<vmem>>
      %dma_wait3A_99 = tpu.memref_squeeze %dma_wait3A_98 : memref<1x128xi32, #tpu.memory_space<vmem>> -> memref<128xi32, #tpu.memory_space<vmem>>
      %dma_wait3A_100 = arith.constant 0 : i32
      %dma_wait3A_101 = arith.constant 0 : i32
      %dma_wait3A_102 = tpu.memref_slice %arg8[%dma_wait3A_100, %dma_wait3A_101] : memref<10240x16xf32, #tpu.memory_space<vmem_shared>> -> memref<10240x16xf32, #tpu.memory_space<vmem_shared>>
      tpu.wait_indirect_dma semaphore(%arg9 : memref<!tpu.dma_semaphore, #tpu.memory_space<semaphore_mem>>) src(%dma_wait3A_96 : memref<128x16xf32, #tpu.memory_space<vmem>>) dst(%dma_wait3A_102 : memref<10240x16xf32, #tpu.memory_space<vmem_shared>>)
      %dma_wait3A_103 = arith.constant 2 : i32
      %dma_wait3A_104 = arith.constant 256 : i32
      %dma_wait3A_105 = arith.constant 0 : i32
      %dma_wait3A_106 = tpu.memref_slice %arg7[%dma_wait3A_104, %dma_wait3A_105] : memref<768x16xf32, #tpu.memory_space<vmem>> -> memref<128x16xf32, #tpu.memory_space<vmem>>
      %dma_wait3A_107 = arith.constant 0 : i32
      %dma_wait3A_108 = tpu.memref_slice %arg6[%dma_wait3A_103, %dma_wait3A_107] : memref<6x128xi32, #tpu.memory_space<vmem>> -> memref<1x128xi32, #tpu.memory_space<vmem>>
      %dma_wait3A_109 = tpu.memref_squeeze %dma_wait3A_108 : memref<1x128xi32, #tpu.memory_space<vmem>> -> memref<128xi32, #tpu.memory_space<vmem>>
      %dma_wait3A_110 = arith.constant 0 : i32
      %dma_wait3A_111 = arith.constant 0 : i32
      %dma_wait3A_112 = tpu.memref_slice %arg8[%dma_wait3A_110, %dma_wait3A_111] : memref<10240x16xf32, #tpu.memory_space<vmem_shared>> -> memref<10240x16xf32, #tpu.memory_space<vmem_shared>>
      tpu.wait_indirect_dma semaphore(%arg9 : memref<!tpu.dma_semaphore, #tpu.memory_space<semaphore_mem>>) src(%dma_wait3A_106 : memref<128x16xf32, #tpu.memory_space<vmem>>) dst(%dma_wait3A_112 : memref<10240x16xf32, #tpu.memory_space<vmem_shared>>)
      %dma_wait3A_113 = arith.constant 3 : i32
      %dma_wait3A_114 = arith.constant 384 : i32
      %dma_wait3A_115 = arith.constant 0 : i32
      %dma_wait3A_116 = tpu.memref_slice %arg7[%dma_wait3A_114, %dma_wait3A_115] : memref<768x16xf32, #tpu.memory_space<vmem>> -> memref<128x16xf32, #tpu.memory_space<vmem>>
      %dma_wait3A_117 = arith.constant 0 : i32
      %dma_wait3A_118 = tpu.memref_slice %arg6[%dma_wait3A_113, %dma_wait3A_117] : memref<6x128xi32, #tpu.memory_space<vmem>> -> memref<1x128xi32, #tpu.memory_space<vmem>>
      %dma_wait3A_119 = tpu.memref_squeeze %dma_wait3A_118 : memref<1x128xi32, #tpu.memory_space<vmem>> -> memref<128xi32, #tpu.memory_space<vmem>>
      %dma_wait3A_120 = arith.constant 0 : i32
      %dma_wait3A_121 = arith.constant 0 : i32
      %dma_wait3A_122 = tpu.memref_slice %arg8[%dma_wait3A_120, %dma_wait3A_121] : memref<10240x16xf32, #tpu.memory_space<vmem_shared>> -> memref<10240x16xf32, #tpu.memory_space<vmem_shared>>
      tpu.wait_indirect_dma semaphore(%arg9 : memref<!tpu.dma_semaphore, #tpu.memory_space<semaphore_mem>>) src(%dma_wait3A_116 : memref<128x16xf32, #tpu.memory_space<vmem>>) dst(%dma_wait3A_122 : memref<10240x16xf32, #tpu.memory_space<vmem_shared>>)
      %dma_wait3A_123 = arith.constant 4 : i32
      %dma_wait3A_124 = arith.constant 512 : i32
      %dma_wait3A_125 = arith.constant 0 : i32
      %dma_wait3A_126 = tpu.memref_slice %arg7[%dma_wait3A_124, %dma_wait3A_125] : memref<768x16xf32, #tpu.memory_space<vmem>> -> memref<128x16xf32, #tpu.memory_space<vmem>>
      %dma_wait3A_127 = arith.constant 0 : i32
      %dma_wait3A_128 = tpu.memref_slice %arg6[%dma_wait3A_123, %dma_wait3A_127] : memref<6x128xi32, #tpu.memory_space<vmem>> -> memref<1x128xi32, #tpu.memory_space<vmem>>
      %dma_wait3A_129 = tpu.memref_squeeze %dma_wait3A_128 : memref<1x128xi32, #tpu.memory_space<vmem>> -> memref<128xi32, #tpu.memory_space<vmem>>
      %dma_wait3A_130 = arith.constant 0 : i32
      %dma_wait3A_131 = arith.constant 0 : i32
      %dma_wait3A_132 = tpu.memref_slice %arg8[%dma_wait3A_130, %dma_wait3A_131] : memref<10240x16xf32, #tpu.memory_space<vmem_shared>> -> memref<10240x16xf32, #tpu.memory_space<vmem_shared>>
      tpu.wait_indirect_dma semaphore(%arg9 : memref<!tpu.dma_semaphore, #tpu.memory_space<semaphore_mem>>) src(%dma_wait3A_126 : memref<128x16xf32, #tpu.memory_space<vmem>>) dst(%dma_wait3A_132 : memref<10240x16xf32, #tpu.memory_space<vmem_shared>>)
      %dma_wait3A_133 = arith.constant 5 : i32
      %dma_wait3A_134 = arith.constant 640 : i32
      %dma_wait3A_135 = arith.constant 0 : i32
      %dma_wait3A_136 = tpu.memref_slice %arg7[%dma_wait3A_134, %dma_wait3A_135] : memref<768x16xf32, #tpu.memory_space<vmem>> -> memref<128x16xf32, #tpu.memory_space<vmem>>
      %dma_wait3A_137 = arith.constant 0 : i32
      %dma_wait3A_138 = tpu.memref_slice %arg6[%dma_wait3A_133, %dma_wait3A_137] : memref<6x128xi32, #tpu.memory_space<vmem>> -> memref<1x128xi32, #tpu.memory_space<vmem>>
      %dma_wait3A_139 = tpu.memref_squeeze %dma_wait3A_138 : memref<1x128xi32, #tpu.memory_space<vmem>> -> memref<128xi32, #tpu.memory_space<vmem>>
      %dma_wait3A_140 = arith.constant 0 : i32
      %dma_wait3A_141 = arith.constant 0 : i32
      %dma_wait3A_142 = tpu.memref_slice %arg8[%dma_wait3A_140, %dma_wait3A_141] : memref<10240x16xf32, #tpu.memory_space<vmem_shared>> -> memref<10240x16xf32, #tpu.memory_space<vmem_shared>>
      tpu.wait_indirect_dma semaphore(%arg9 : memref<!tpu.dma_semaphore, #tpu.memory_space<semaphore_mem>>) src(%dma_wait3A_136 : memref<128x16xf32, #tpu.memory_space<vmem>>) dst(%dma_wait3A_142 : memref<10240x16xf32, #tpu.memory_space<vmem_shared>>)
    }
    %scan3A_7 = arith.constant 13 : i32
    %lt3A = arith.constant 4 : i32
    %lt3A_8 = arith.cmpi slt, %add3A, %lt3A : i32
    %convert_element_type3A_9 = arith.extui %lt3A_8 : i1 to i32
    %cond3A_10 = arith.constant 0 : i32
    %cond3A_11 = arith.cmpi ne, %convert_element_type3A_9, %cond3A_10 : i32
    scf.if %cond3A_11 {
      %add3A_17 = arith.constant 2496 : i32
      %add3A_18 = arith.addi %add3A_17, %add3A : i32
      "tpu.region"() ({
        %run_scoped3A = tpu.sem_alloc : memref<!tpu.dma_semaphore, #tpu.memory_space<semaphore_mem>>
        %dma_start3A_39 = arith.constant 0 : i32
        %dma_start3A_40 = arith.constant 0 : i32
        %dma_start3A_41 = tpu.memref_slice %arg6[%dma_start3A_39, %dma_start3A_40] : memref<6x128xi32, #tpu.memory_space<vmem>> -> memref<1x128xi32, #tpu.memory_space<vmem>>
        %dma_start3A_42 = arith.constant 0 : i32
        %dma_start3A_43 = tpu.memref_slice %arg3[%add3A_18, %dma_start3A_42] : memref<2500x128xi32, #tpu.memory_space<hbm>> -> memref<1x128xi32, #tpu.memory_space<hbm>>
        %dma_start3A_44 = arith.constant 0 : i32
        %dma_start3A_45 = arith.constant 0 : i32
        %dma_start3A_46 = tpu.memref_slice %arg6[%dma_start3A_44, %dma_start3A_45] : memref<6x128xi32, #tpu.memory_space<vmem>> -> memref<1x128xi32, #tpu.memory_space<vmem>>
        %dma_start3A_47 = arith.constant 0 : i32
        %dma_start3A_48 = tpu.memref_slice %arg3[%add3A_18, %dma_start3A_47] : memref<2500x128xi32, #tpu.memory_space<hbm>> -> memref<1x128xi32, #tpu.memory_space<hbm>>
        tpu.enqueue_dma source(%dma_start3A_48 : memref<1x128xi32, #tpu.memory_space<hbm>>) target(%dma_start3A_46 : memref<1x128xi32, #tpu.memory_space<vmem>>) target_semaphore(%run_scoped3A : memref<!tpu.dma_semaphore, #tpu.memory_space<semaphore_mem>>)
        %dma_wait3A_49 = arith.constant 0 : i32
        %dma_wait3A_50 = arith.constant 0 : i32
        %dma_wait3A_51 = tpu.memref_slice %arg6[%dma_wait3A_49, %dma_wait3A_50] : memref<6x128xi32, #tpu.memory_space<vmem>> -> memref<1x128xi32, #tpu.memory_space<vmem>>
        %dma_wait3A_52 = arith.constant 0 : i32
        %dma_wait3A_53 = tpu.memref_slice %arg3[%add3A_18, %dma_wait3A_52] : memref<2500x128xi32, #tpu.memory_space<hbm>> -> memref<1x128xi32, #tpu.memory_space<hbm>>
        %dma_wait3A_54 = arith.constant 0 : i32
        %dma_wait3A_55 = arith.constant 0 : i32
        %dma_wait3A_56 = tpu.memref_slice %arg6[%dma_wait3A_54, %dma_wait3A_55] : memref<6x128xi32, #tpu.memory_space<vmem>> -> memref<1x128xi32, #tpu.memory_space<vmem>>
        %dma_wait3A_57 = arith.constant 0 : i32
        %dma_wait3A_58 = tpu.memref_slice %arg3[%add3A_18, %dma_wait3A_57] : memref<2500x128xi32, #tpu.memory_space<hbm>> -> memref<1x128xi32, #tpu.memory_space<hbm>>
        tpu.wait_dma2 semaphore(%run_scoped3A : memref<!tpu.dma_semaphore, #tpu.memory_space<semaphore_mem>>) src(%dma_wait3A_58 : memref<1x128xi32, #tpu.memory_space<hbm>>) dst(%dma_wait3A_56 : memref<1x128xi32, #tpu.memory_space<vmem>>)
        tpu.yield
      }) : () -> ()
      %mul3A_19 = arith.constant 128 : i32
      %mul3A_20 = arith.muli %add3A_18, %mul3A_19 : i32
      "tpu.region"() ({
        %run_scoped3A = tpu.sem_alloc : memref<!tpu.dma_semaphore, #tpu.memory_space<semaphore_mem>>
        %dma_start3A_39 = arith.constant 0 : i32
        %dma_start3A_40 = arith.constant 0 : i32
        %dma_start3A_41 = tpu.memref_slice %arg7[%dma_start3A_39, %dma_start3A_40] : memref<768x16xf32, #tpu.memory_space<vmem>> -> memref<128x16xf32, #tpu.memory_space<vmem>>
        %dma_start3A_42 = arith.constant 0 : i32
        %dma_start3A_43 = tpu.memref_slice %arg2[%mul3A_20, %dma_start3A_42] : memref<320000x16xf32, #tpu.memory_space<hbm>> -> memref<128x16xf32, #tpu.memory_space<hbm>>
        %dma_start3A_44 = arith.constant 0 : i32
        %dma_start3A_45 = arith.constant 0 : i32
        %dma_start3A_46 = tpu.memref_slice %arg7[%dma_start3A_44, %dma_start3A_45] : memref<768x16xf32, #tpu.memory_space<vmem>> -> memref<128x16xf32, #tpu.memory_space<vmem>>
        %dma_start3A_47 = arith.constant 0 : i32
        %dma_start3A_48 = tpu.memref_slice %arg2[%mul3A_20, %dma_start3A_47] : memref<320000x16xf32, #tpu.memory_space<hbm>> -> memref<128x16xf32, #tpu.memory_space<hbm>>
        tpu.enqueue_dma source(%dma_start3A_48 : memref<128x16xf32, #tpu.memory_space<hbm>>) target(%dma_start3A_46 : memref<128x16xf32, #tpu.memory_space<vmem>>) target_semaphore(%run_scoped3A : memref<!tpu.dma_semaphore, #tpu.memory_space<semaphore_mem>>)
        %dma_wait3A_49 = arith.constant 0 : i32
        %dma_wait3A_50 = arith.constant 0 : i32
        %dma_wait3A_51 = tpu.memref_slice %arg7[%dma_wait3A_49, %dma_wait3A_50] : memref<768x16xf32, #tpu.memory_space<vmem>> -> memref<128x16xf32, #tpu.memory_space<vmem>>
        %dma_wait3A_52 = arith.constant 0 : i32
        %dma_wait3A_53 = tpu.memref_slice %arg2[%mul3A_20, %dma_wait3A_52] : memref<320000x16xf32, #tpu.memory_space<hbm>> -> memref<128x16xf32, #tpu.memory_space<hbm>>
        %dma_wait3A_54 = arith.constant 0 : i32
        %dma_wait3A_55 = arith.constant 0 : i32
        %dma_wait3A_56 = tpu.memref_slice %arg7[%dma_wait3A_54, %dma_wait3A_55] : memref<768x16xf32, #tpu.memory_space<vmem>> -> memref<128x16xf32, #tpu.memory_space<vmem>>
        %dma_wait3A_57 = arith.constant 0 : i32
        %dma_wait3A_58 = tpu.memref_slice %arg2[%mul3A_20, %dma_wait3A_57] : memref<320000x16xf32, #tpu.memory_space<hbm>> -> memref<128x16xf32, #tpu.memory_space<hbm>>
        tpu.wait_dma2 semaphore(%run_scoped3A : memref<!tpu.dma_semaphore, #tpu.memory_space<semaphore_mem>>) src(%dma_wait3A_58 : memref<128x16xf32, #tpu.memory_space<hbm>>) dst(%dma_wait3A_56 : memref<128x16xf32, #tpu.memory_space<vmem>>)
        tpu.yield
      }) : () -> ()
      %dma_start3A = arith.constant 0 : i32
      %dma_start3A_21 = arith.constant 0 : i32
      %dma_start3A_22 = arith.constant 0 : i32
      %dma_start3A_23 = tpu.memref_slice %arg7[%dma_start3A_21, %dma_start3A_22] : memref<768x16xf32, #tpu.memory_space<vmem>> -> memref<128x16xf32, #tpu.memory_space<vmem>>
      %dma_start3A_24 = arith.constant 0 : i32
      %dma_start3A_25 = tpu.memref_slice %arg6[%dma_start3A, %dma_start3A_24] : memref<6x128xi32, #tpu.memory_space<vmem>> -> memref<1x128xi32, #tpu.memory_space<vmem>>
      %dma_start3A_26 = tpu.memref_squeeze %dma_start3A_25 : memref<1x128xi32, #tpu.memory_space<vmem>> -> memref<128xi32, #tpu.memory_space<vmem>>
      %dma_start3A_27 = arith.constant 0 : i32
      %dma_start3A_28 = arith.constant 0 : i32
      %dma_start3A_29 = tpu.memref_slice %arg8[%dma_start3A_27, %dma_start3A_28] : memref<10240x16xf32, #tpu.memory_space<vmem_shared>> -> memref<10240x16xf32, #tpu.memory_space<vmem_shared>>
      tpu.enqueue_indirect_dma source(%dma_start3A_23 : memref<128x16xf32, #tpu.memory_space<vmem>>) target(%dma_start3A_29 : memref<10240x16xf32, #tpu.memory_space<vmem_shared>>) offsets(%dma_start3A_26 : memref<128xi32, #tpu.memory_space<vmem>>) semaphore(%arg9 : memref<!tpu.dma_semaphore, #tpu.memory_space<semaphore_mem>>) {add = true}
      %dma_wait3A = arith.constant 0 : i32
      %dma_wait3A_30 = arith.constant 0 : i32
      %dma_wait3A_31 = arith.constant 0 : i32
      %dma_wait3A_32 = tpu.memref_slice %arg7[%dma_wait3A_30, %dma_wait3A_31] : memref<768x16xf32, #tpu.memory_space<vmem>> -> memref<128x16xf32, #tpu.memory_space<vmem>>
      %dma_wait3A_33 = arith.constant 0 : i32
      %dma_wait3A_34 = tpu.memref_slice %arg6[%dma_wait3A, %dma_wait3A_33] : memref<6x128xi32, #tpu.memory_space<vmem>> -> memref<1x128xi32, #tpu.memory_space<vmem>>
      %dma_wait3A_35 = tpu.memref_squeeze %dma_wait3A_34 : memref<1x128xi32, #tpu.memory_space<vmem>> -> memref<128xi32, #tpu.memory_space<vmem>>
      %dma_wait3A_36 = arith.constant 0 : i32
      %dma_wait3A_37 = arith.constant 0 : i32
      %dma_wait3A_38 = tpu.memref_slice %arg8[%dma_wait3A_36, %dma_wait3A_37] : memref<10240x16xf32, #tpu.memory_space<vmem_shared>> -> memref<10240x16xf32, #tpu.memory_space<vmem_shared>>
      tpu.wait_indirect_dma semaphore(%arg9 : memref<!tpu.dma_semaphore, #tpu.memory_space<semaphore_mem>>) src(%dma_wait3A_32 : memref<128x16xf32, #tpu.memory_space<vmem>>) dst(%dma_wait3A_38 : memref<10240x16xf32, #tpu.memory_space<vmem_shared>>)
    } else {
    }
    %barrier3A_12 = arith.constant 0 : index
    tpu.barrier barrier_id(%barrier3A_12)
    %mul3A_13 = arith.constant 640 : i32
    %mul3A_14 = arith.muli %arg1, %mul3A_13 : i32
    %mul3A_15 = arith.constant 640 : i32
    %mul3A_16 = arith.muli %arg1, %mul3A_15 : i32
    "tpu.region"() ({
      %run_scoped3A = tpu.sem_alloc : memref<!tpu.dma_semaphore, #tpu.memory_space<semaphore_mem>>
      %dma_start3A = arith.constant 0 : i32
      %dma_start3A_17 = arith.constant 0 : i32
      %dma_start3A_18 = tpu.memref_slice %arg5[%arg0, %dma_start3A, %dma_start3A_17] : memref<2x10240x16xf32, #tpu.memory_space<hbm>> -> memref<1x10240x16xf32, #tpu.memory_space<hbm>>
      %dma_start3A_19 = tpu.memref_squeeze %dma_start3A_18 : memref<1x10240x16xf32, #tpu.memory_space<hbm>> -> memref<10240x16xf32, #tpu.memory_space<hbm>>
      %dma_start3A_20 = arith.constant 0 : i32
      %dma_start3A_21 = tpu.memref_slice %dma_start3A_19[%mul3A_16, %dma_start3A_20] : memref<10240x16xf32, #tpu.memory_space<hbm>> -> memref<640x16xf32, #tpu.memory_space<hbm>>
      %dma_start3A_22 = arith.constant 0 : i32
      %dma_start3A_23 = tpu.memref_slice %arg8[%mul3A_14, %dma_start3A_22] : memref<10240x16xf32, #tpu.memory_space<vmem_shared>> -> memref<640x16xf32, #tpu.memory_space<vmem_shared>>
      tpu.enqueue_dma source(%dma_start3A_23 : memref<640x16xf32, #tpu.memory_space<vmem_shared>>) target(%dma_start3A_21 : memref<640x16xf32, #tpu.memory_space<hbm>>) target_semaphore(%run_scoped3A : memref<!tpu.dma_semaphore, #tpu.memory_space<semaphore_mem>>)
      %dma_wait3A = arith.constant 0 : i32
      %dma_wait3A_24 = arith.constant 0 : i32
      %dma_wait3A_25 = tpu.memref_slice %arg5[%arg0, %dma_wait3A, %dma_wait3A_24] : memref<2x10240x16xf32, #tpu.memory_space<hbm>> -> memref<1x10240x16xf32, #tpu.memory_space<hbm>>
      %dma_wait3A_26 = tpu.memref_squeeze %dma_wait3A_25 : memref<1x10240x16xf32, #tpu.memory_space<hbm>> -> memref<10240x16xf32, #tpu.memory_space<hbm>>
      %dma_wait3A_27 = arith.constant 0 : i32
      %dma_wait3A_28 = tpu.memref_slice %dma_wait3A_26[%mul3A_16, %dma_wait3A_27] : memref<10240x16xf32, #tpu.memory_space<hbm>> -> memref<640x16xf32, #tpu.memory_space<hbm>>
      %dma_wait3A_29 = arith.constant 0 : i32
      %dma_wait3A_30 = tpu.memref_slice %arg8[%mul3A_14, %dma_wait3A_29] : memref<10240x16xf32, #tpu.memory_space<vmem_shared>> -> memref<640x16xf32, #tpu.memory_space<vmem_shared>>
      tpu.wait_dma2 semaphore(%run_scoped3A : memref<!tpu.dma_semaphore, #tpu.memory_space<semaphore_mem>>) src(%dma_wait3A_30 : memref<640x16xf32, #tpu.memory_space<vmem_shared>>) dst(%dma_wait3A_28 : memref<640x16xf32, #tpu.memory_space<hbm>>)
      tpu.yield
    }) : () -> ()
    return
  }
}

module attributes {stable_mosaic.version = 14 : i64} {
  func.func @_front_body(%arg0: i32, %arg1: memref<1000x128xf32, #tpu.memory_space<vmem>>, %arg2: memref<16x32000xf32, #tpu.memory_space<vmem>>, %arg3: memref<128x16xf32, #tpu.memory_space<vmem>>, %arg4: memref<1x16xf32, #tpu.memory_space<vmem>>, %arg5: memref<16x16xf32, #tpu.memory_space<vmem>>, %arg6: memref<16x16xf32, #tpu.memory_space<vmem>>, %arg7: memref<1x16xf32, #tpu.memory_space<vmem>>, %arg8: memref<1000x16xf32, #tpu.memory_space<vmem>>, %arg9: memref<4000x128xf32, #tpu.memory_space<vmem>>) attributes {dimension_semantics = [#tpu.dimension_semantics<arbitrary>], iteration_bounds = array<i64: 10>, scalar_prefetch = 0 : i64, scratch_operands = 0 : i64, tpu.core_type = #tpu.core_type<tc>, window_params = [{transform_indices = @transform_0, window_bounds = array<i64: 1000, 128>}, {transform_indices = @transform_1, window_bounds = array<i64: 16, 32000>}, {pipeline_mode = #tpu.pipeline_mode<synchronous>, transform_indices = @transform_2, window_bounds = array<i64: 128, 16>}, {pipeline_mode = #tpu.pipeline_mode<synchronous>, transform_indices = @transform_3, window_bounds = array<i64: 1, 16>}, {pipeline_mode = #tpu.pipeline_mode<synchronous>, transform_indices = @transform_4, window_bounds = array<i64: 16, 16>}, {pipeline_mode = #tpu.pipeline_mode<synchronous>, transform_indices = @transform_5, window_bounds = array<i64: 16, 16>}, {pipeline_mode = #tpu.pipeline_mode<synchronous>, transform_indices = @transform_6, window_bounds = array<i64: 1, 16>}, {transform_indices = @transform_7, window_bounds = array<i64: 1000, 16>}, {transform_indices = @transform_8, window_bounds = array<i64: 4000, 128>}]} {
    %get3A = arith.constant 0 : index
    %get3A_0 = arith.constant 0 : index
    %get3A_1 = vector.load %arg1[%get3A, %get3A_0] : memref<1000x128xf32, #tpu.memory_space<vmem>>, vector<1000x128xf32>
    %get3A_2 = arith.constant 0 : index
    %get3A_3 = arith.constant 0 : index
    %get3A_4 = vector.load %arg3[%get3A_2, %get3A_3] : memref<128x16xf32, #tpu.memory_space<vmem>>, vector<128x16xf32>
    %dot_general3A = arith.constant dense<0.000000e+00> : vector<1000x16xf32>
    %dot_general3A_5 = tpu.matmul %get3A_1, %get3A_4, %dot_general3A {dimension_numbers = #tpu.dot_dimension_numbers<[1], [0], [0], [1], [0, 0, 1, 1], [], []>, transpose_lhs_hint = false} : vector<1000x128xf32>, vector<128x16xf32>, vector<1000x16xf32> -> vector<1000x16xf32>
    %get3A_6 = arith.constant 0 : index
    %get3A_7 = arith.constant 0 : index
    %get3A_8 = vector.load %arg4[%get3A_6, %get3A_7] : memref<1x16xf32, #tpu.memory_space<vmem>>, vector<1x16xf32>
    %add3A = vector.broadcast %get3A_8 : vector<1x16xf32> to vector<1000x16xf32>
    %add3A_9 = arith.addf %dot_general3A_5, %add3A : vector<1000x16xf32>
    %max3A = arith.constant 0.000000e+00 : f32
    %max3A_10 = vector.broadcast %max3A : f32 to vector<1000x16xf32>
    %max3A_11 = arith.maximumf %add3A_9, %max3A_10 : vector<1000x16xf32>
    %get3A_12 = arith.constant 0 : index
    %get3A_13 = arith.constant 0 : index
    %get3A_14 = vector.load %arg5[%get3A_12, %get3A_13] : memref<16x16xf32, #tpu.memory_space<vmem>>, vector<16x16xf32>
    %dot_general3A_15 = arith.constant dense<0.000000e+00> : vector<1000x16xf32>
    %dot_general3A_16 = tpu.matmul %max3A_11, %get3A_14, %dot_general3A_15 {dimension_numbers = #tpu.dot_dimension_numbers<[1], [0], [0], [1], [0, 0, 1, 1], [], []>, transpose_lhs_hint = false} : vector<1000x16xf32>, vector<16x16xf32>, vector<1000x16xf32> -> vector<1000x16xf32>
    %swap3A = arith.constant 0 : index
    %swap3A_17 = arith.constant 0 : index
    %swap3A_18 = vector.load %arg8[%swap3A, %swap3A_17] : memref<1000x16xf32, #tpu.memory_space<vmem>>, vector<1000x16xf32>
    tpu.vector_store %arg8[%swap3A, %swap3A_17], %dot_general3A_16 {strides = array<i32>} : memref<1000x16xf32, #tpu.memory_space<vmem>>, vector<1000x16xf32>,
    %get3A_19 = arith.constant 0 : index
    %get3A_20 = arith.constant 0 : index
    %get3A_21 = vector.load %arg2[%get3A_19, %get3A_20] : memref<16x32000xf32, #tpu.memory_space<vmem>>, vector<16x32000xf32>
    %get3A_22 = arith.constant 0 : index
    %get3A_23 = arith.constant 0 : index
    %get3A_24 = vector.load %arg6[%get3A_22, %get3A_23] : memref<16x16xf32, #tpu.memory_space<vmem>>, vector<16x16xf32>
    %dot_general3A_25 = arith.constant dense<0.000000e+00> : vector<32000x16xf32>
    %dot_general3A_26 = tpu.matmul %get3A_21, %get3A_24, %dot_general3A_25 {dimension_numbers = #tpu.dot_dimension_numbers<[0], [0], [1], [1], [0, 1, 1, 1], [], []>, transpose_lhs_hint = false} : vector<16x32000xf32>, vector<16x16xf32>, vector<32000x16xf32> -> vector<32000x16xf32>
    %get3A_27 = arith.constant 0 : index
    %get3A_28 = arith.constant 0 : index
    %get3A_29 = vector.load %arg7[%get3A_27, %get3A_28] : memref<1x16xf32, #tpu.memory_space<vmem>>, vector<1x16xf32>
    %add3A_30 = vector.broadcast %get3A_29 : vector<1x16xf32> to vector<32000x16xf32>
    %add3A_31 = arith.addf %dot_general3A_26, %add3A_30 : vector<32000x16xf32>
    %slice3A = vector.extract_strided_slice %add3A_31 {offsets = [0, 0], sizes = [4000, 16], strides = [1, 1]} : vector<32000x16xf32> to vector<4000x16xf32>
    %slice3A_32 = vector.extract_strided_slice %add3A_31 {offsets = [4000, 0], sizes = [4000, 16], strides = [1, 1]} : vector<32000x16xf32> to vector<4000x16xf32>
    %slice3A_33 = vector.extract_strided_slice %add3A_31 {offsets = [8000, 0], sizes = [4000, 16], strides = [1, 1]} : vector<32000x16xf32> to vector<4000x16xf32>
    %slice3A_34 = vector.extract_strided_slice %add3A_31 {offsets = [12000, 0], sizes = [4000, 16], strides = [1, 1]} : vector<32000x16xf32> to vector<4000x16xf32>
    %slice3A_35 = vector.extract_strided_slice %add3A_31 {offsets = [16000, 0], sizes = [4000, 16], strides = [1, 1]} : vector<32000x16xf32> to vector<4000x16xf32>
    %slice3A_36 = vector.extract_strided_slice %add3A_31 {offsets = [20000, 0], sizes = [4000, 16], strides = [1, 1]} : vector<32000x16xf32> to vector<4000x16xf32>
    %slice3A_37 = vector.extract_strided_slice %add3A_31 {offsets = [24000, 0], sizes = [4000, 16], strides = [1, 1]} : vector<32000x16xf32> to vector<4000x16xf32>
    %slice3A_38 = vector.extract_strided_slice %add3A_31 {offsets = [28000, 0], sizes = [4000, 16], strides = [1, 1]} : vector<32000x16xf32> to vector<4000x16xf32>
    %concatenate3A = tpu.concatenate %slice3A, %slice3A_32, %slice3A_33, %slice3A_34, %slice3A_35, %slice3A_36, %slice3A_37, %slice3A_38 in 1 : vector<4000x16xf32>, vector<4000x16xf32>, vector<4000x16xf32>, vector<4000x16xf32>, vector<4000x16xf32>, vector<4000x16xf32>, vector<4000x16xf32>, vector<4000x16xf32> -> vector<4000x128xf32>
    %swap3A_39 = arith.constant 0 : index
    %swap3A_40 = arith.constant 0 : index
    %swap3A_41 = vector.load %arg9[%swap3A_39, %swap3A_40] : memref<4000x128xf32, #tpu.memory_space<vmem>>, vector<4000x128xf32>
    tpu.vector_store %arg9[%swap3A_39, %swap3A_40], %concatenate3A {strides = array<i32>} : memref<4000x128xf32, #tpu.memory_space<vmem>>, vector<4000x128xf32>,
    return
  }
  func.func @transform_0(%arg0: i32) -> (i32, i32) {
    %c0_i32 = arith.constant 0 : i32
    %c0_i32_0 = arith.constant 0 : i32
    return %arg0, %c0_i32 : i32, i32
  }
  func.func @transform_1(%arg0: i32) -> (i32, i32) {
    %c0_i32 = arith.constant 0 : i32
    %c0_i32_0 = arith.constant 0 : i32
    return %c0_i32, %arg0 : i32, i32
  }
  func.func @transform_2(%arg0: i32) -> (i32, i32) {
    %c0_i32 = arith.constant 0 : i32
    %c0_i32_0 = arith.constant 0 : i32
    %c0_i32_1 = arith.constant 0 : i32
    return %c0_i32, %c0_i32_0 : i32, i32
  }
  func.func @transform_3(%arg0: i32) -> (i32, i32) {
    %c0_i32 = arith.constant 0 : i32
    %c0_i32_0 = arith.constant 0 : i32
    %c0_i32_1 = arith.constant 0 : i32
    return %c0_i32, %c0_i32_0 : i32, i32
  }
  func.func @transform_4(%arg0: i32) -> (i32, i32) {
    %c0_i32 = arith.constant 0 : i32
    %c0_i32_0 = arith.constant 0 : i32
    %c0_i32_1 = arith.constant 0 : i32
    return %c0_i32, %c0_i32_0 : i32, i32
  }
  func.func @transform_5(%arg0: i32) -> (i32, i32) {
    %c0_i32 = arith.constant 0 : i32
    %c0_i32_0 = arith.constant 0 : i32
    %c0_i32_1 = arith.constant 0 : i32
    return %c0_i32, %c0_i32_0 : i32, i32
  }
  func.func @transform_6(%arg0: i32) -> (i32, i32) {
    %c0_i32 = arith.constant 0 : i32
    %c0_i32_0 = arith.constant 0 : i32
    %c0_i32_1 = arith.constant 0 : i32
    return %c0_i32, %c0_i32_0 : i32, i32
  }
  func.func @transform_7(%arg0: i32) -> (i32, i32) {
    %c0_i32 = arith.constant 0 : i32
    %c0_i32_0 = arith.constant 0 : i32
    return %arg0, %c0_i32 : i32, i32
  }
  func.func @transform_8(%arg0: i32) -> (i32, i32) {
    %c0_i32 = arith.constant 0 : i32
    %c0_i32_0 = arith.constant 0 : i32
    return %arg0, %c0_i32 : i32, i32
  }
}

module attributes {stable_mosaic.version = 14 : i64} {
  func.func @_mid_body(%arg0: i32, %arg1: memref<1000x16xf32, #tpu.memory_space<vmem>>, %arg2: memref<1000x16xf32, #tpu.memory_space<vmem>>, %arg3: memref<1000x16xf32, #tpu.memory_space<vmem>>, %arg4: memref<16x16xf32, #tpu.memory_space<vmem>>, %arg5: memref<1000x16xf32, #tpu.memory_space<vmem>>) attributes {dimension_semantics = [#tpu.dimension_semantics<arbitrary>], iteration_bounds = array<i64: 10>, scalar_prefetch = 0 : i64, scratch_operands = 0 : i64, tpu.core_type = #tpu.core_type<tc>, window_params = [{transform_indices = @transform_0, window_bounds = array<i64: 1000, 16>}, {transform_indices = @transform_1, window_bounds = array<i64: 1000, 16>}, {transform_indices = @transform_2, window_bounds = array<i64: 1000, 16>}, {pipeline_mode = #tpu.pipeline_mode<synchronous>, transform_indices = @transform_3, window_bounds = array<i64: 16, 16>}, {transform_indices = @transform_4, window_bounds = array<i64: 1000, 16>}]} {
    %get3A = arith.constant 0 : index
    %get3A_0 = arith.constant 0 : index
    %get3A_1 = vector.load %arg1[%get3A, %get3A_0] : memref<1000x16xf32, #tpu.memory_space<vmem>>, vector<1000x16xf32>
    %get3A_2 = arith.constant 0 : index
    %get3A_3 = arith.constant 0 : index
    %get3A_4 = vector.load %arg2[%get3A_2, %get3A_3] : memref<1000x16xf32, #tpu.memory_space<vmem>>, vector<1000x16xf32>
    %add3A = arith.addf %get3A_1, %get3A_4 : vector<1000x16xf32>
    %slice3A = vector.extract_strided_slice %add3A {offsets = [0, 8], sizes = [1000, 1], strides = [1, 1]} : vector<1000x16xf32> to vector<1000x1xf32>
    %max3A = arith.constant 1.000000e+00 : f32
    %max3A_5 = vector.broadcast %max3A : f32 to vector<1000x1xf32>
    %max3A_6 = arith.maximumf %slice3A, %max3A_5 : vector<1000x1xf32>
    %rsqrt3A = math.rsqrt %max3A_6 : vector<1000x1xf32>
    %max3A_7 = arith.constant 0.000000e+00 : f32
    %max3A_8 = vector.broadcast %max3A_7 : f32 to vector<1000x16xf32>
    %max3A_9 = arith.maximumf %add3A, %max3A_8 : vector<1000x16xf32>
    %get3A_10 = arith.constant 0 : index
    %get3A_11 = arith.constant 0 : index
    %get3A_12 = vector.load %arg4[%get3A_10, %get3A_11] : memref<16x16xf32, #tpu.memory_space<vmem>>, vector<16x16xf32>
    %dot_general3A = arith.constant dense<0.000000e+00> : vector<1000x16xf32>
    %dot_general3A_13 = tpu.matmul %max3A_9, %get3A_12, %dot_general3A {dimension_numbers = #tpu.dot_dimension_numbers<[1], [0], [0], [1], [0, 0, 1, 1], [], []>, transpose_lhs_hint = false} : vector<1000x16xf32>, vector<16x16xf32>, vector<1000x16xf32> -> vector<1000x16xf32>
    %get3A_14 = arith.constant 0 : index
    %get3A_15 = arith.constant 0 : index
    %get3A_16 = vector.load %arg3[%get3A_14, %get3A_15] : memref<1000x16xf32, #tpu.memory_space<vmem>>, vector<1000x16xf32>
    %add3A_17 = arith.addf %dot_general3A_13, %get3A_16 : vector<1000x16xf32>
    %mul3A = vector.broadcast %rsqrt3A : vector<1000x1xf32> to vector<1000x16xf32>
    %mul3A_18 = arith.mulf %add3A_17, %mul3A : vector<1000x16xf32>
    %iota3A = tpu.iota {dimensions = array<i32: 1>} : vector<1000x16xi32>
    %eq3A = arith.constant 15 : i32
    %eq3A_19 = vector.broadcast %eq3A : i32 to vector<1000x16xi32>
    %eq3A_20 = arith.cmpi eq, %iota3A, %eq3A_19 : vector<1000x16xi32>
    %jit3A = arith.constant 1.000000e+00 : f32
    %broadcast_in_dim3A = vector.broadcast %jit3A : f32 to vector<1000x16xf32>
    %select_n3A = arith.select %eq3A_20, %broadcast_in_dim3A, %mul3A_18 : vector<1000x16xi1>, vector<1000x16xf32>
    %swap3A = arith.constant 0 : index
    %swap3A_21 = arith.constant 0 : index
    %swap3A_22 = vector.load %arg5[%swap3A, %swap3A_21] : memref<1000x16xf32, #tpu.memory_space<vmem>>, vector<1000x16xf32>
    tpu.vector_store %arg5[%swap3A, %swap3A_21], %select_n3A {strides = array<i32>} : memref<1000x16xf32, #tpu.memory_space<vmem>>, vector<1000x16xf32>,
    return
  }
  func.func @transform_0(%arg0: i32) -> (i32, i32) {
    %c0_i32 = arith.constant 0 : i32
    %c0_i32_0 = arith.constant 0 : i32
    return %arg0, %c0_i32 : i32, i32
  }
  func.func @transform_1(%arg0: i32) -> (i32, i32) {
    %c0_i32 = arith.constant 0 : i32
    %c0_i32_0 = arith.constant 0 : i32
    return %arg0, %c0_i32 : i32, i32
  }
  func.func @transform_2(%arg0: i32) -> (i32, i32) {
    %c0_i32 = arith.constant 0 : i32
    %c0_i32_0 = arith.constant 0 : i32
    return %arg0, %c0_i32 : i32, i32
  }
  func.func @transform_3(%arg0: i32) -> (i32, i32) {
    %c0_i32 = arith.constant 0 : i32
    %c0_i32_0 = arith.constant 0 : i32
    %c0_i32_1 = arith.constant 0 : i32
    return %c0_i32, %c0_i32_0 : i32, i32
  }
  func.func @transform_4(%arg0: i32) -> (i32, i32) {
    %c0_i32 = arith.constant 0 : i32
    %c0_i32_0 = arith.constant 0 : i32
    return %arg0, %c0_i32 : i32, i32
  }
}

module attributes {stable_mosaic.version = 14 : i64} {
  func.func @_head_body(%arg0: i32, %arg1: memref<1000x16xf32, #tpu.memory_space<vmem>>, %arg2: memref<1000x16xf32, #tpu.memory_space<vmem>>, %arg3: memref<1x16xf32, #tpu.memory_space<vmem>>, %arg4: memref<16x16xf32, #tpu.memory_space<vmem>>, %arg5: memref<1x16xf32, #tpu.memory_space<vmem>>, %arg6: memref<16x2xf32, #tpu.memory_space<vmem>>, %arg7: memref<1x2xf32, #tpu.memory_space<vmem>>, %arg8: memref<1000x2xf32, #tpu.memory_space<vmem>>) attributes {dimension_semantics = [#tpu.dimension_semantics<arbitrary>], iteration_bounds = array<i64: 10>, scalar_prefetch = 0 : i64, scratch_operands = 0 : i64, tpu.core_type = #tpu.core_type<tc>, window_params = [{transform_indices = @transform_0, window_bounds = array<i64: 1000, 16>}, {transform_indices = @transform_1, window_bounds = array<i64: 1000, 16>}, {pipeline_mode = #tpu.pipeline_mode<synchronous>, transform_indices = @transform_2, window_bounds = array<i64: 1, 16>}, {pipeline_mode = #tpu.pipeline_mode<synchronous>, transform_indices = @transform_3, window_bounds = array<i64: 16, 16>}, {pipeline_mode = #tpu.pipeline_mode<synchronous>, transform_indices = @transform_4, window_bounds = array<i64: 1, 16>}, {pipeline_mode = #tpu.pipeline_mode<synchronous>, transform_indices = @transform_5, window_bounds = array<i64: 16, 2>}, {pipeline_mode = #tpu.pipeline_mode<synchronous>, transform_indices = @transform_6, window_bounds = array<i64: 1, 2>}, {transform_indices = @transform_7, window_bounds = array<i64: 1000, 2>}]} {
    %get3A = arith.constant 0 : index
    %get3A_0 = arith.constant 15 : index
    %get3A_1 = vector.load %arg1[%get3A, %get3A_0] : memref<1000x16xf32, #tpu.memory_space<vmem>>, vector<1000x1xf32>
    %get3A_2 = arith.constant 0 : index
    %get3A_3 = arith.constant 15 : index
    %get3A_4 = vector.load %arg2[%get3A_2, %get3A_3] : memref<1000x16xf32, #tpu.memory_space<vmem>>, vector<1000x1xf32>
    %add3A = arith.addf %get3A_1, %get3A_4 : vector<1000x1xf32>
    %max3A = arith.constant 1.000000e+00 : f32
    %max3A_5 = vector.broadcast %max3A : f32 to vector<1000x1xf32>
    %max3A_6 = arith.maximumf %add3A, %max3A_5 : vector<1000x1xf32>
    %rsqrt3A = math.rsqrt %max3A_6 : vector<1000x1xf32>
    %get3A_7 = arith.constant 0 : index
    %get3A_8 = arith.constant 0 : index
    %get3A_9 = vector.load %arg1[%get3A_7, %get3A_8] : memref<1000x16xf32, #tpu.memory_space<vmem>>, vector<1000x16xf32>
    %get3A_10 = arith.constant 0 : index
    %get3A_11 = arith.constant 0 : index
    %get3A_12 = vector.load %arg2[%get3A_10, %get3A_11] : memref<1000x16xf32, #tpu.memory_space<vmem>>, vector<1000x16xf32>
    %add3A_13 = arith.addf %get3A_9, %get3A_12 : vector<1000x16xf32>
    %mul3A = vector.broadcast %rsqrt3A : vector<1000x1xf32> to vector<1000x16xf32>
    %mul3A_14 = arith.mulf %add3A_13, %mul3A : vector<1000x16xf32>
    %get3A_15 = arith.constant 0 : index
    %get3A_16 = arith.constant 0 : index
    %get3A_17 = vector.load %arg3[%get3A_15, %get3A_16] : memref<1x16xf32, #tpu.memory_space<vmem>>, vector<1x16xf32>
    %add3A_18 = vector.broadcast %get3A_17 : vector<1x16xf32> to vector<1000x16xf32>
    %add3A_19 = arith.addf %mul3A_14, %add3A_18 : vector<1000x16xf32>
    %max3A_20 = arith.constant 0.000000e+00 : f32
    %max3A_21 = vector.broadcast %max3A_20 : f32 to vector<1000x16xf32>
    %max3A_22 = arith.maximumf %add3A_19, %max3A_21 : vector<1000x16xf32>
    %get3A_23 = arith.constant 0 : index
    %get3A_24 = arith.constant 0 : index
    %get3A_25 = vector.load %arg4[%get3A_23, %get3A_24] : memref<16x16xf32, #tpu.memory_space<vmem>>, vector<16x16xf32>
    %dot_general3A = arith.constant dense<0.000000e+00> : vector<1000x16xf32>
    %dot_general3A_26 = tpu.matmul %max3A_22, %get3A_25, %dot_general3A {dimension_numbers = #tpu.dot_dimension_numbers<[1], [0], [0], [1], [0, 0, 1, 1], [], []>, transpose_lhs_hint = false} : vector<1000x16xf32>, vector<16x16xf32>, vector<1000x16xf32> -> vector<1000x16xf32>
    %get3A_27 = arith.constant 0 : index
    %get3A_28 = arith.constant 0 : index
    %get3A_29 = vector.load %arg5[%get3A_27, %get3A_28] : memref<1x16xf32, #tpu.memory_space<vmem>>, vector<1x16xf32>
    %add3A_30 = vector.broadcast %get3A_29 : vector<1x16xf32> to vector<1000x16xf32>
    %add3A_31 = arith.addf %dot_general3A_26, %add3A_30 : vector<1000x16xf32>
    %max3A_32 = arith.constant 0.000000e+00 : f32
    %max3A_33 = vector.broadcast %max3A_32 : f32 to vector<1000x16xf32>
    %max3A_34 = arith.maximumf %add3A_31, %max3A_33 : vector<1000x16xf32>
    %get3A_35 = arith.constant 0 : index
    %get3A_36 = arith.constant 0 : index
    %get3A_37 = vector.load %arg6[%get3A_35, %get3A_36] : memref<16x2xf32, #tpu.memory_space<vmem>>, vector<16x2xf32>
    %dot_general3A_38 = arith.constant dense<0.000000e+00> : vector<1000x2xf32>
    %dot_general3A_39 = tpu.matmul %max3A_34, %get3A_37, %dot_general3A_38 {dimension_numbers = #tpu.dot_dimension_numbers<[1], [0], [0], [1], [0, 0, 1, 1], [], []>, transpose_lhs_hint = false} : vector<1000x16xf32>, vector<16x2xf32>, vector<1000x2xf32> -> vector<1000x2xf32>
    %get3A_40 = arith.constant 0 : index
    %get3A_41 = arith.constant 0 : index
    %get3A_42 = vector.load %arg7[%get3A_40, %get3A_41] : memref<1x2xf32, #tpu.memory_space<vmem>>, vector<1x2xf32>
    %add3A_43 = vector.broadcast %get3A_42 : vector<1x2xf32> to vector<1000x2xf32>
    %add3A_44 = arith.addf %dot_general3A_39, %add3A_43 : vector<1000x2xf32>
    %swap3A = arith.constant 0 : index
    %swap3A_45 = arith.constant 0 : index
    %swap3A_46 = vector.load %arg8[%swap3A, %swap3A_45] : memref<1000x2xf32, #tpu.memory_space<vmem>>, vector<1000x2xf32>
    tpu.vector_store %arg8[%swap3A, %swap3A_45], %add3A_44 {strides = array<i32>} : memref<1000x2xf32, #tpu.memory_space<vmem>>, vector<1000x2xf32>,
    return
  }
  func.func @transform_0(%arg0: i32) -> (i32, i32) {
    %c0_i32 = arith.constant 0 : i32
    %c0_i32_0 = arith.constant 0 : i32
    return %arg0, %c0_i32 : i32, i32
  }
  func.func @transform_1(%arg0: i32) -> (i32, i32) {
    %c0_i32 = arith.constant 0 : i32
    %c0_i32_0 = arith.constant 0 : i32
    return %arg0, %c0_i32 : i32, i32
  }
  func.func @transform_2(%arg0: i32) -> (i32, i32) {
    %c0_i32 = arith.constant 0 : i32
    %c0_i32_0 = arith.constant 0 : i32
    %c0_i32_1 = arith.constant 0 : i32
    return %c0_i32, %c0_i32_0 : i32, i32
  }
  func.func @transform_3(%arg0: i32) -> (i32, i32) {
    %c0_i32 = arith.constant 0 : i32
    %c0_i32_0 = arith.constant 0 : i32
    %c0_i32_1 = arith.constant 0 : i32
    return %c0_i32, %c0_i32_0 : i32, i32
  }
  func.func @transform_4(%arg0: i32) -> (i32, i32) {
    %c0_i32 = arith.constant 0 : i32
    %c0_i32_0 = arith.constant 0 : i32
    %c0_i32_1 = arith.constant 0 : i32
    return %c0_i32, %c0_i32_0 : i32, i32
  }
  func.func @transform_5(%arg0: i32) -> (i32, i32) {
    %c0_i32 = arith.constant 0 : i32
    %c0_i32_0 = arith.constant 0 : i32
    %c0_i32_1 = arith.constant 0 : i32
    return %c0_i32, %c0_i32_0 : i32, i32
  }
  func.func @transform_6(%arg0: i32) -> (i32, i32) {
    %c0_i32 = arith.constant 0 : i32
    %c0_i32_0 = arith.constant 0 : i32
    %c0_i32_1 = arith.constant 0 : i32
    return %c0_i32, %c0_i32_0 : i32, i32
  }
  func.func @transform_7(%arg0: i32) -> (i32, i32) {
    %c0_i32 = arith.constant 0 : i32
    %c0_i32_0 = arith.constant 0 : i32
    return %arg0, %c0_i32 : i32, i32
  }
}

</mosaic_0001>

<sc_bundles>
// kernel: kernel.10.cloned.1.call-start
scs
__scs_entry_jumppad:
0x0: {  	(pc) =	sbr.rel $0x88, $3  }
0x1: {  	(tag) =	ssettag $0x0;
	lr =	simm.s32 $0x1  }
0x2: {  	[smem:$0x3F94] =	sst lr;
	_ =	strace $0xD0000000  }
0x3: {  	_ = 	snop  }
0x4: {  	_ = 	snop  }
0x5: {  	_ = 	snop  }
0x6: {  	_ = 	snop  }
0x7: {  	_ = 	snop  }
__scs_overlays_trampoline_lowered:
0x8: {  	[smem:$0x3FA3] =	sst s0  }
0x9: {  	[smem:$0x3FA4] =	sst s1  }
0xa: {  	[smem:$0x3FA5] =	sst s2  }
0xb: {  	[smem:$0x3FA6] =	sst s3  }
0xc: {  	[smem:$0x3FA7] =	sst s4  }
0xd: {  	[smem:$0x3FA8] =	sst s5  }
0xe: {  	[smem:$0x3FA9] =	sst s6  }
0xf: {  	[smem:$0x3FAA] =	sst s7  }
0x10: {  	[smem:$0x3FAB] =	sst s8  }
0x11: {  	[smem:$0x3FAC] =	sst s9;
	s0 =	simm.s32 @!p0 $0x0  }
0x12: {  	s1 =	sld [smem:$0x3F92];
	s0 =	simm.s32 @p0 $0x1  }
0x13: {  	[smem:$0x3FAD] =	sst s0;
	s0 =	simm.s32 @!p1 $0x0  }
0x14: {  	s2 =	sld [smem:$0x3F91];
	s0 =	simm.s32 @p1 $0x1  }
0x15: {  	[smem:$0x3FAE] =	sst s0;
	s0 =	simm.s32 @!p2 $0x0  }
0x16: {  	s3 =	sld [smem:$0x3FDB];
	s0 =	simm.s32 @p2 $0x1  }
0x17: {  	s4 =	simm.s32 $0x1BF5;
	[smem:$0x3FB0] =	sst s0  }
0x18: {  	s0 =	sld [smem:$0x3F93];
	_ =	swait.ge [sflag:s4], $0x0  }
0x19: {  	s7 =	sld [smem:$0x3F94]  }
0x1a: {  	s8 =	sadd.s32 $0xFFFFE003, lr  }
0x1b: {  	s9 =	sadd.s32 $0xFFFFFEF7, lr;
	s5 =	simm.s32 $0xFFFFFFFF;
	p2 =	slt.u32 s8, $0xFFFFF086  }
0x1c: {  	p1 =	slt.u32 s9, $0xF7A;
	s5 =	simm.s32 @!p2 $0x0  }
0x1d: {  	s5 =	simm.s32 @p1 $0x1;
	p0 =	seq.s32 s7, s2  }
0x1e: {  	s7 =	smul.u32 @!p0 $0xF7A, s2;
	p2 =	seq.s32 @!p0 s5, $0x0  }
0x1f: {  	s9 =	smul.u32 $0xF7A, s1;
	s8 =	simm.s32 @!p0 $0x1BF5;
	p2 =	por !p2, p0  }
0x20: {  	[sflag:s8] =	ssyncset.s32 @!p0 $0xFFFFF086;
	s6 =	sadd.s32 @!p0 s3, s7;
	s7 =	simm.s32 @!p0 $0x108  }
0x21: {  	s3 =	sadd.s32 s3, s9;
	s6 =	sadd.s32 @!p0 $0x88, s6;
	s7 =	simm.s32 @p2 $0x1082  }
0x22: {  	[simem:s7], [sflag:s8] =	dma.local @!p0 [hbm:s6], $0xF7A  }
0x23: {  	s9 =	sor.u32 $0xD0000000, s2;
	s6 =	simm.s32 $0x108;
	_ =	swait.ge @!p0 [sflag:s8], $0x0  }
0x24: {  	s3 =	sadd.s32 $0x88, s3;
	s6 =	simm.s32 @!p1 $0x1082;
	[sflag:s4] =	ssyncset.s32 $0xFFFFF086  }
0x25: {  	[simem:s6], [sflag:s4] =	dma.local [hbm:s3], $0xF7A  }
0x26: {  	[smem:$0x3F94] =	sst s1;
	(tag) =	ssettag s2;
	_ =	strace s9  }
0x27: {  	s1 =	sld [smem:$0x3FA4]  }
0x28: {  	s2 =	sld [smem:$0x3FA5]  }
0x29: {  	s4 =	sld [smem:$0x3FA7]  }
0x2a: {  	p0 =	seq.s32 s5, $0x0;
	s5 =	sld [smem:$0x3FA8]  }
0x2b: {  	s6 =	sld [smem:$0x3FA9]  }
0x2c: {  	s7 =	sld [smem:$0x3FAA]  }
0x2d: {  	s3 =	simm.s32 $0x108;
	s8 =	sld [smem:$0x3FAB]  }
0x2e: {  	s3 =	simm.s32 @!p0 $0x1082;
	s9 =	sld [smem:$0x3FAC]  }
0x2f: {  	lr =	sadd.s32 s0, s3;
	s0 =	sld [smem:$0x3FA3]  }
0x30: {  	s3 =	sld [smem:$0x3FA6]  }
0x31: {  	[smem:$0x3FAF] =	sst s10  }
0x32: {  	s10 =	sld [smem:$0x3FAD];
	_ =	sdelay $0x3  }
0x33: {  	p0 =	seq.s32 s10, $0x1;
	s10 =	sld [smem:$0x3FAF];
	_ =	sdelay $0x3  }
0x34: {  	[smem:$0x3FAF] =	sst s10  }
0x35: {  	s10 =	sld [smem:$0x3FAE];
	_ =	sdelay $0x3  }
0x36: {  	p1 =	seq.s32 s10, $0x1;
	s10 =	sld [smem:$0x3FAF];
	_ =	sdelay $0x3  }
0x37: {  	[smem:$0x3FAF] =	sst s10  }
0x38: {  	s10 =	sld [smem:$0x3FB0]  }
0x39: {  	_ = 	snop;
	(pc) =	sbr.ind lr, $3  }
0x3a: {  	_ = 	snop  }
0x3b: {  	_ = 	snop  }
0x3c: {  	p2 =	seq.s32 s10, $0x1;
	s10 =	sld [smem:$0x3FAF]  }
0x3d: {  	_ =	shalt  }
0x3e: {  	_ =	shalt  }
0x3f: {  	_ =	shalt  }
0x40: {  	_ =	shalt  }
0x41: {  	_ =	shalt  }
0x42: {  	_ =	shalt  }
0x43: {  	_ =	shalt  }
0x44: {  	_ =	shalt  }
0x45: {  	_ =	shalt  }
0x46: {  	_ =	shalt  }
0x47: {  	_ =	shalt  }
0x48: {  	_ =	shalt  }
0x49: {  	_ =	shalt  }
0x4a: {  	_ =	shalt  }
0x4b: {  	_ =	shalt  }
0x4c: {  	_ =	shalt  }
0x4d: {  	_ =	shalt  }
0x4e: {  	_ =	shalt  }
0x4f: {  	_ =	shalt  }
0x50: {  	_ =	shalt  }
0x51: {  	_ =	shalt  }
0x52: {  	_ =	shalt  }
0x53: {  	_ =	shalt  }
0x54: {  	_ =	shalt  }
0x55: {  	_ =	shalt  }
0x56: {  	_ =	shalt  }
0x57: {  	_ =	shalt  }
0x58: {  	_ =	shalt  }
0x59: {  	_ =	shalt  }
0x5a: {  	_ =	shalt  }
0x5b: {  	_ =	shalt  }
0x5c: {  	_ =	shalt  }
0x5d: {  	_ =	shalt  }
0x5e: {  	_ =	shalt  }
0x5f: {  	_ =	shalt  }
0x60: {  	_ =	shalt  }
0x61: {  	_ =	shalt  }
0x62: {  	_ =	shalt  }
0x63: {  	_ =	shalt  }
0x64: {  	_ =	shalt  }
0x65: {  	_ =	shalt  }
0x66: {  	_ =	shalt  }
0x67: {  	_ =	shalt  }
0x68: {  	_ =	shalt  }
0x69: {  	_ =	shalt  }
0x6a: {  	_ =	shalt  }
0x6b: {  	_ =	shalt  }
0x6c: {  	_ =	shalt  }
0x6d: {  	_ =	shalt  }
0x6e: {  	_ =	shalt  }
0x6f: {  	_ =	shalt  }
0x70: {  	_ =	shalt  }
0x71: {  	_ =	shalt  }
0x72: {  	_ =	shalt  }
0x73: {  	_ =	shalt  }
0x74: {  	_ =	shalt  }
0x75: {  	_ =	shalt  }
0x76: {  	_ =	shalt  }
0x77: {  	_ =	shalt  }
0x78: {  	_ =	shalt  }
0x79: {  	_ =	shalt  }
0x7a: {  	_ =	shalt  }
0x7b: {  	_ =	shalt  }
0x7c: {  	_ =	shalt  }
0x7d: {  	_ =	shalt  }
0x7e: {  	_ =	shalt  }
0x7f: {  	_ =	shalt  }
0x80: {  	_ =	shalt  }
0x81: {  	_ =	shalt  }
0x82: {  	_ =	shalt  }
0x83: {  	_ =	shalt  }
0x84: {  	_ =	shalt  }
0x85: {  	_ =	shalt  }
0x86: {  	_ =	shalt  }
0x87: {  	_ =	shalt  }
.Lfunc_end0:
.L_simem_size_0:
called_computation.1_lowered:
.L_overlay_start_0:
0x88: {  	s2 =	sld [smem:$0x3FD9]  }
0x89: {  	s3 =	sld [smem:$0x3FFE];
	_ =	sdelay $0x1  }
0x8a: {  	s1 =	srdreg.scid  }
0x8b: {  	s0 =	sand.u32 $0x1, s1  }
0x8c: {  	s16 =	sshll.u32 s0, $0xA;
	s2 =	sadd.s32 s3, s2  }
0x8d: {  	s2 =	sadd.s32 s2, s16  }
0x8e: {  	[smem:$0x3FBB] =	sst s2  }
0x8f: {  	_ = 	snop  }
0x90: {  	(tm) =	ssettm $0x1  }
0x91: {  	s17 =	sld [smem:$0x3FFB];
	_ =	sdelay $0x3  }
0x92: {  	_ =	strace s17  }
0x93: {  	s2 =	sld [smem:$0x3FFC];
	_ =	sdelay $0x3  }
0x94: {  	_ =	strace s2  }
0x95: {  	s2 =	sld [smem:$0x3FFD];
	_ =	sdelay $0x3  }
0x96: {  	_ =	strace s2  }
0x97: {  	_ =	strace $0x8FFFFFFF  }
0x98: {  	s18 =	sld [smem:$0x3FDB];
	_ =	sdelay $0x1  }
0x99: {  	s19 =	simm.s32 $_scs_section_size  }
0x9a: {  	s4 =	simm.s32 $_size__tile_overlayer_lowered;
	s5 =	simm.s32 $_tile_overlayer_lowered  }
0x9b: {  	s22 =	simm.s32 $0x1BFF;
	s21 =	sshll.u32 s5, $0x1;
	s2 =	sadd.s32 s19, s18  }
0x9c: {  	s6 =	simm.s32 $0x0;
	s20 =	sshll.u32 s4, $0x1;
	s4 =	sadd.s32 s21, s2  }
0x9d: {  	[timem:s6], [sflag:s22] =	dma.local [hbm:s4], s20  }
0x9e: {  	_ =	swait.ge [sflag:s22], s20  }
0x9f: {  	s3 =	ssub.s32 $0x0, s20;
	[sflag:s22] =	ssyncset.done $0x0  }
0xa0: {  	[sflag:s22] =	ssyncadd.s32 s3;
	_ =	sdelay $0x1  }
0xa1: {  	s23 =	simm.s32 $0x1B8B  }
0xa2: {  	_ =	swait.ge [sflag:s23], $0x1  }
0xa3: {  	[sflag:s23] =	ssyncset.done $0x0  }
0xa4: {  	s25 =	simm.s32 $0x1B8E;
	s24 =	sld [smem:$0x3FFE];
	[sflag:s23] =	ssyncadd.s32 $0xFFFFFFFF  }
0xa5: {  	s26 =	simm.s32 $execute0_lowered;
	[smem:$0x3FD2] =	sst s25  }
0xa6: {  	s4 =	sshll.u32 s26, $0x1;
	_ =	strace $0x80000049;
	[dreg:$0x1] =	wrdreg $0xFFFFFFFF  }
0xa7: {  	s28 =	simm.s32 $_size_execute0_lowered;
	s2 =	sadd.s32 s2, s4;
	[dreg:$0x0] =	wrdreg $0x0  }
0xa8: {  	s4 =	sshll.u32 s28, $0x1;
	[dreg:$0x2] =	wrdreg s2  }
0xa9: {  	[dreg:$0x3] =	wrdreg s4  }
0xaa: {  	[dreg:$0x4] =	wrdreg $0xC0  }
0xab: {  	_ =	task [dreg:s6], $0x5FFFF  }
0xac: {  	[dreg:$0x1] =	wrdreg $0xFFFFFFFF  }
0xad: {  	[dreg:$0x0] =	wrdreg $0x60  }
0xae: {  	[dreg:$0x2] =	wrdreg s24  }
0xaf: {  	[dreg:$0x3] =	wrdreg $0x5D100  }
0xb0: {  	[dreg:$0x4] =	wrdreg $0x36000  }
0xb1: {  	[dreg:$0x5] =	wrdreg $0x9  }
0xb2: {  	_ =	task.clear_ibuf [dreg:s6], $0x6FFFF;
	_ =	strace $0x90000049  }
0xb3: {  	s29 =	simm.s32 $0x9;
	_ =	strace $0x8000004B  }
0xb4: {  	_ =	swait.ge [sflag:s29], $0x1  }
0xb5: {  	[sflag:s29] =	ssyncadd.s32 $0xFFFFFFFF  }
0xb6: {  	_ =	strace $0x9000004B  }
0xb7: {  	_ =	sfence  }
0xb8: {  	s30 =	sld [smem:$0x0];
	_ =	sdelay $0x2  }
0xb9: {  	s31 =	sshll.u32 s1, $0xD;
	s1 =	sshrl.u32 s1, $0x2  }
0xba: {  	s3 =	sand.u32 $0x4000, s31;
	s1 =	sadd.s32 s1, s30  }
0xbb: {  	s0 =	sor.u32 s3, s0;
	s1 =	sshll.u32 s1, $0x11  }
0xbc: {  	s0 =	sor.u32 s1, s0  }
0xbd: {  	s0 =	sadd.s32 $0x8F2B, s0  }
0xbe: {  	[sflag:s0] =	ssyncadd.remote.s32 $0x1  }
0xbf: {  	_ =	sfence.sel $0xFFFF  }
0xc0: {  	[dreg:$0x0] =	wrdreg $0xFFFFFFFF;
	(pc) =	sbr.abs _section_cstart, $3  }
0xc1: {  	[dreg:$0x1] =	wrdreg $0xFFFFFFFF  }
0xc2: {  	_ =	task.clear_ibuf [dreg:s6], $0x2FFFF;
	_ =	strace $0x9FFFFFFF  }
0xc3: {  	(tm) =	ssettm $0x7FFFFFFF  }
tec
execute0_lowered:
.L_overlay_start_1:
0x0: {  	(tag) =	ssettag $0x1  }
0x1: {  	s0 =	rddreg [dreg:$0x0]  }
0x2: {  	s1 =	rddreg [dreg:$0x1]  }
0x3: {  	s4 =	stileid.u32;
	s2 =	rddreg [dreg:$0x2]  }
0x4: {  	s3 =	simm.s32 $0x0;
	s6 =	srdreg.scid;
	s16 =	simm.s32 $0x300  }
0x5: {  	s28 =	simm.s32 $0x2600;
	s29 =	simm.s32 $0x280;
	s30 =	simm.s32 $0x2E00  }
0x6: {  	s31 =	simm.s32 $0x1;
	s15 =	simm.s32 $0x2;
	s5 =	smul.u32 $0x3E80, s4  }
0x7: {  	[smem:$0x7FF] =	sst s3;
	s6 =	sand.u32 $0x1, s6;
	s9 =	sadd.s32 $0x1600, s0  }
0x8: {  	s10 =	sadd.s32 $0xB400, s0;
	s12 =	sadd.s32 $0xBB400, s0;
	s21 =	smul.u32 $0x2800, s4  }
0x9: {  	s19 =	sshll.u32 s4, $0x4;
	s13 =	smul.u32 $0x4E0, s4;
	p0 =	sne.s32 s4, $0x0  }
0xa: {  	s24 =	sshrl.u32 s1, $0x3;
	s25 =	sshll.u32 s4, $0x6;
	p2 =	sgt.u32 s4, $0x9  }
0xb: {  	_ =	strace $0x8000004A;
	s8 =	smul.u32 $0x5000, s6;
	s11 =	ssub.s32 $0x2, s6  }
0xc: {  	[dreg:$0x4] =	wrdreg s12;
	s18 =	sshll.u32 s6, $0x4;
	s12 =	sor.u32 $0x9C00, s19  }
0xd: {  	s6 =	smul.u32 $0x4E00, s6;
	[dreg:$0x9] =	wrdreg s24;
	s19 =	simm.s32 $0xE00  }
0xe: {  	s24 =	simm.s32 $0x1E00;
	s7 =	sshrl.u32 s5, $0x3;
	s17 =	sshrl.u32 s11, $0x1  }
0xf: {  	s5 =	sadd.s32 s5, s2;
	s20 =	sadd.s32 s9, s12;
	s12 =	sadd.s32 s10, s12  }
0x10: {  	s22 =	sshrl.u32 s21, $0x3;
	s7 =	sadd.s32 s7, s0;
	s0 =	sadd.s32 s8, s0  }
0x11: {  	s8 =	ssub.s32 s11, s17;
	s11 =	sor.u32 s4, s18;
	[dreg:$0x6] =	wrdreg s20  }
0x12: {  	[dreg:$0x7] =	wrdreg s12;
	s23 =	sadd.s32 s6, s10;
	s6 =	sadd.s32 s6, s9  }
0x13: {  	s5 =	sshrl.u32 s5, $0x3;
	s17 =	simm.s32 $0x80;
	s18 =	simm.s32 $0x600  }
0x14: {  	s20 =	simm.s32 $0x100;
	s12 =	simm.s32 $0x400;
	s4 =	simm.s32 $0x480  }
0x15: {  	s7 =	sadd.s32 $0x15200, s7;
	s0 =	sadd.s32 $0x1A200, s0;
	s8 =	smax.u32 s8, $0x1  }
0x16: {  	s9 =	sadd.s32 s13, s23;
	s10 =	sadd.s32 s13, s6;
	s13 =	simm.s32 $0x3  }
0x17: {  	s6 =	sor.u32 $0x1C03, s25;
	[dreg:$0xb] =	wrdreg s5;
	p1 =	sgt.u32 s11, $0x3  }
0x18: {  	s23 =	simm.s32 $0x180;
	s11 =	simm.s32 $0x500;
	[dreg:$0x5] =	wrdreg s7  }
0x19: {  	s5 =	simm.s32 $0x580;
	s7 =	sadd.s32 s21, s1;
	[dreg:$0x8] =	wrdreg s8  }
0x1a: {  	[dreg:$0xa] =	wrdreg s6;
	s21 =	simm.s32 $0x1600;
	s0 =	sadd.s32 s22, s0  }
0x1b: {  	s6 =	simm.s32 $0x0;
	[dreg:$0xc] =	wrdreg s0;
	s26 =	sshrl.u32 s7, $0x3  }
0x1c: {  	s0 =	simm.s32 $0x380;
	[dreg:$0xd] =	wrdreg s26;
	s26 =	simm.s32 $0x200  }
.LBB2_1:
.Ltmp0:
0x1d: {  	(pc) =	sbr.rel @!p0 .LBB2_2-.Ltmp0, $1  }
0x1e: {  	_ =	sdelay $0x3  }
.Ltmp1:
0x1f: {  	(pc) =	sbr.rel @p2 .LBB2_5-.Ltmp1, $4  }
.Ltmp2:
0x20: {  	(pc) =	sbr.rel @!p2 .LBB2_4-.Ltmp2, $4  }
0x21: {  	_ = 	snop  }
0x22: {  	_ = 	snop  }
0x23: {  	_ = 	snop  }
0x24: {  	_ = 	snop  }
.LBB2_2:
0x25: {  	s7 =	rddreg [dreg:$0x4]  }
0x26: {  	s8 =	rddreg [dreg:$0x9];
	s14 =	simm.s32 $0x1C03  }
0x27: {  	[spmem:s8], [sflag:s14] =	dma.local [hbm:s7], $0x5000  }
0x28: {  	_ =	swait.ge [sflag:s13], $0x5000  }
0x29: {  	[sflag:s13] =	ssyncset.done $0x0  }
0x2a: {  	[sflag:s13] =	ssyncadd.s32 $0xFFFFB000  }
.LBB2_4:
0x2b: {  	s7 =	rddreg [dreg:$0x5]  }
0x2c: {  	s8 =	rddreg [dreg:$0xa]  }
0x2d: {  	s14 =	rddreg [dreg:$0xb]  }
0x2e: {  	[spmem:s14], [sflag:s8] =	dma.local [hbm:s7], $0x7D0  }
0x2f: {  	_ =	swait.ge [sflag:s13], $0x7D0  }
0x30: {  	[sflag:s13] =	ssyncset.done $0x0  }
0x31: {  	[sflag:s13] =	ssyncadd.s32 $0xFFFFF830  }
.LBB2_5:
0x32: {  	[bflag:$0x0] =	sbarrier.arrive $0xFFFF;
	s7 =	sadd.s32 $0x0, s10  }
0x33: {  	[tilespmem:s3], [sflag:$0x3] =	stream.linear.gather [hbm4b:s7+s3], $0x300, $0x38;
	[tilespmem:$0x8510] =	vst v63  }
0x34: {  	_ =	swait.ge [sflag:s13], $0x300  }
0x35: {  	[sflag:s13] =	ssyncset.done $0x0  }
0x36: {  	s25 =	sadd.s32 $0x0, s9;
	[sflag:s13] =	ssyncadd.s32 $0xFFFFFD00  }
0x37: {  	[tilespmem:s16], [sflag:$0x3] =	stream.linear.gather [hbm4b:s25+s3], $0x300, $0x38;
	[tilespmem:$0x8510] =	vst v63  }
0x38: {  	_ =	swait.ge [sflag:s13], $0x300  }
0x39: {  	[sflag:s13] =	ssyncset.done $0x0  }
0x3a: {  	[sflag:s13] =	ssyncadd.s32 $0xFFFFFD00  }
0x3b: {  	[tilespmem:s18], [sflag:$0x1] =	stream.indirect.gather [spmem:s2], $0x10, s3, s17, $0xb8;
	[tilespmem:$0x8510] =	vst v63  }
0x3c: {  	_ = 	snop  }
0x3d: {  	[tilespmem:s19], [sflag:$0x1] =	stream.indirect.gather [spmem:s2], $0x10, s17, s17, $0xb8;
	[tilespmem:$0x8510] =	vst v63  }
0x3e: {  	_ = 	snop  }
0x3f: {  	[tilespmem:s21], [sflag:$0x1] =	stream.indirect.gather [spmem:s2], $0x10, s20, s17, $0xb8;
	[tilespmem:$0x8510] =	vst v63  }
0x40: {  	_ = 	snop  }
0x41: {  	[tilespmem:s24], [sflag:$0x1] =	stream.indirect.gather [spmem:s2], $0x10, s23, s17, $0xb8;
	[tilespmem:$0x8510] =	vst v63  }
0x42: {  	_ = 	snop  }
0x43: {  	[tilespmem:s28], [sflag:$0x1] =	stream.indirect.gather [spmem:s2], $0x10, s26, s17, $0xb8;
	[tilespmem:$0x8510] =	vst v63  }
0x44: {  	_ = 	snop  }
0x45: {  	[tilespmem:s30], [sflag:$0x1] =	stream.indirect.gather [spmem:s2], $0x10, s29, s17, $0xb8;
	[tilespmem:$0x8510] =	vst v63  }
0x46: {  	_ =	swait.ge [sflag:s31], $0x800  }
0x47: {  	[sflag:s31] =	ssyncset.done $0x0  }
0x48: {  	[sflag:s31] =	ssyncadd.s32 $0xFFFFF800  }
0x49: {  	[spmem:s1] =	stream.indirect.scatter.add.f32 [tilespmem:s18], [sflag:$0x2], $0x10, s16, s17, $0xb8;
	[tilespmem:$0x8510] =	vst v63  }
0x4a: {  	_ =	swait.ge [sflag:s31], $0x800  }
0x4b: {  	[sflag:s31] =	ssyncset.done $0x0  }
0x4c: {  	[sflag:s31] =	ssyncadd.s32 $0xFFFFF800  }
0x4d: {  	[spmem:s1] =	stream.indirect.scatter.add.f32 [tilespmem:s19], [sflag:$0x2], $0x10, s0, s17, $0xb8;
	[tilespmem:$0x8510] =	vst v63  }
0x4e: {  	_ =	swait.ge [sflag:s31], $0x800  }
0x4f: {  	[sflag:s31] =	ssyncset.done $0x0  }
0x50: {  	[sflag:s31] =	ssyncadd.s32 $0xFFFFF800  }
0x51: {  	[spmem:s1] =	stream.indirect.scatter.add.f32 [tilespmem:s21], [sflag:$0x2], $0x10, s12, s17, $0xb8;
	[tilespmem:$0x8510] =	vst v63  }
0x52: {  	_ =	swait.ge [sflag:s31], $0x800  }
0x53: {  	[sflag:s31] =	ssyncset.done $0x0  }
0x54: {  	[sflag:s31] =	ssyncadd.s32 $0xFFFFF800  }
0x55: {  	[spmem:s1] =	stream.indirect.scatter.add.f32 [tilespmem:s24], [sflag:$0x2], $0x10, s4, s17, $0xb8;
	[tilespmem:$0x8510] =	vst v63  }
0x56: {  	_ =	swait.ge [sflag:s31], $0x800  }
0x57: {  	[sflag:s31] =	ssyncset.done $0x0  }
0x58: {  	[sflag:s31] =	ssyncadd.s32 $0xFFFFF800  }
0x59: {  	[spmem:s1] =	stream.indirect.scatter.add.f32 [tilespmem:s28], [sflag:$0x2], $0x10, s11, s17, $0xb8;
	[tilespmem:$0x8510] =	vst v63  }
0x5a: {  	_ =	swait.ge [sflag:s31], $0x800  }
0x5b: {  	[sflag:s31] =	ssyncset.done $0x0  }
0x5c: {  	[sflag:s31] =	ssyncadd.s32 $0xFFFFF800  }
0x5d: {  	[spmem:s1] =	stream.indirect.scatter.add.f32 [tilespmem:s30], [sflag:$0x2], $0x10, s5, s17, $0xb8;
	[tilespmem:$0x8510] =	vst v63  }
0x5e: {  	_ =	swait.ge [sflag:s15], $0x800  }
0x5f: {  	[sflag:s15] =	ssyncset.done $0x0  }
0x60: {  	[sflag:s15] =	ssyncadd.s32 $0xFFFFF800  }
0x61: {  	_ =	swait.ge [sflag:s15], $0x800  }
0x62: {  	[sflag:s15] =	ssyncset.done $0x0  }
0x63: {  	[sflag:s15] =	ssyncadd.s32 $0xFFFFF800  }
0x64: {  	_ =	swait.ge [sflag:s15], $0x800  }
0x65: {  	[sflag:s15] =	ssyncset.done $0x0  }
0x66: {  	[sflag:s15] =	ssyncadd.s32 $0xFFFFF800  }
0x67: {  	_ =	swait.ge [sflag:s15], $0x800  }
0x68: {  	[sflag:s15] =	ssyncset.done $0x0  }
0x69: {  	[sflag:s15] =	ssyncadd.s32 $0xFFFFF800  }
0x6a: {  	_ =	swait.ge [sflag:s15], $0x800  }
0x6b: {  	[sflag:s15] =	ssyncset.done $0x0  }
0x6c: {  	[sflag:s15] =	ssyncadd.s32 $0xFFFFF800  }
0x6d: {  	_ =	swait.ge [sflag:s15], $0x800  }
0x6e: {  	s8 =	simm.s32 $0xC0;
	s7 =	simm.s32 $0x60;
	[sflag:s15] =	ssyncset.done $0x0  }
.LBB2_6:
0x6f: {  	s25 =	sadd.s32 s7, s10  }
0x70: {  	[sflag:s15] =	ssyncadd.s32 $0xFFFFF800;
	s14 =	smov.u32 s8;
	s22 =	sadd.s32 $0x60, s8  }
0x71: {  	[tilespmem:s3], [sflag:$0x3] =	stream.linear.gather [hbm4b:s25+s3], $0x300, $0x38;
	[tilespmem:$0x8510] =	vst v63  }
0x72: {  	p3 =	sne.s32 s8, $0x480;
	_ =	swait.ge [sflag:s13], $0x300  }
0x73: {  	[sflag:s13] =	ssyncset.done $0x0  }
0x74: {  	s8 =	sadd.s32 s7, s9;
	s7 =	smov.u32 s14;
	[sflag:s13] =	ssyncadd.s32 $0xFFFFFD00  }
0x75: {  	[tilespmem:s16], [sflag:$0x3] =	stream.linear.gather [hbm4b:s8+s3], $0x300, $0x38;
	[tilespmem:$0x8510] =	vst v63  }
0x76: {  	_ =	swait.ge [sflag:s13], $0x300  }
0x77: {  	[sflag:s13] =	ssyncset.done $0x0  }
0x78: {  	[sflag:s13] =	ssyncadd.s32 $0xFFFFFD00  }
0x79: {  	[tilespmem:s18], [sflag:$0x1] =	stream.indirect.gather [spmem:s2], $0x10, s3, s17, $0xb8;
	[tilespmem:$0x8510] =	vst v63  }
0x7a: {  	_ = 	snop  }
0x7b: {  	[tilespmem:s19], [sflag:$0x1] =	stream.indirect.gather [spmem:s2], $0x10, s17, s17, $0xb8;
	[tilespmem:$0x8510] =	vst v63  }
0x7c: {  	_ = 	snop  }
0x7d: {  	[tilespmem:s21], [sflag:$0x1] =	stream.indirect.gather [spmem:s2], $0x10, s20, s17, $0xb8;
	[tilespmem:$0x8510] =	vst v63  }
0x7e: {  	_ = 	snop  }
0x7f: {  	[tilespmem:s24], [sflag:$0x1] =	stream.indirect.gather [spmem:s2], $0x10, s23, s17, $0xb8;
	[tilespmem:$0x8510] =	vst v63  }
0x80: {  	_ = 	snop  }
0x81: {  	[tilespmem:s28], [sflag:$0x1] =	stream.indirect.gather [spmem:s2], $0x10, s26, s17, $0xb8;
	[tilespmem:$0x8510] =	vst v63  }
0x82: {  	_ = 	snop  }
0x83: {  	[tilespmem:s30], [sflag:$0x1] =	stream.indirect.gather [spmem:s2], $0x10, s29, s17, $0xb8;
	[tilespmem:$0x8510] =	vst v63  }
0x84: {  	_ =	swait.ge [sflag:s31], $0x800  }
0x85: {  	[sflag:s31] =	ssyncset.done $0x0  }
0x86: {  	[sflag:s31] =	ssyncadd.s32 $0xFFFFF800  }
0x87: {  	[spmem:s1] =	stream.indirect.scatter.add.f32 [tilespmem:s18], [sflag:$0x2], $0x10, s16, s17, $0xb8;
	[tilespmem:$0x8510] =	vst v63  }
0x88: {  	_ =	swait.ge [sflag:s31], $0x800  }
0x89: {  	[sflag:s31] =	ssyncset.done $0x0  }
0x8a: {  	[sflag:s31] =	ssyncadd.s32 $0xFFFFF800  }
0x8b: {  	[spmem:s1] =	stream.indirect.scatter.add.f32 [tilespmem:s19], [sflag:$0x2], $0x10, s0, s17, $0xb8;
	[tilespmem:$0x8510] =	vst v63  }
0x8c: {  	_ =	swait.ge [sflag:s31], $0x800  }
0x8d: {  	[sflag:s31] =	ssyncset.done $0x0  }
0x8e: {  	[sflag:s31] =	ssyncadd.s32 $0xFFFFF800  }
0x8f: {  	[spmem:s1] =	stream.indirect.scatter.add.f32 [tilespmem:s21], [sflag:$0x2], $0x10, s12, s17, $0xb8;
	[tilespmem:$0x8510] =	vst v63  }
0x90: {  	_ =	swait.ge [sflag:s31], $0x800  }
0x91: {  	[sflag:s31] =	ssyncset.done $0x0  }
0x92: {  	[sflag:s31] =	ssyncadd.s32 $0xFFFFF800  }
0x93: {  	[spmem:s1] =	stream.indirect.scatter.add.f32 [tilespmem:s24], [sflag:$0x2], $0x10, s4, s17, $0xb8;
	[tilespmem:$0x8510] =	vst v63  }
0x94: {  	_ =	swait.ge [sflag:s31], $0x800  }
0x95: {  	[sflag:s31] =	ssyncset.done $0x0  }
0x96: {  	[sflag:s31] =	ssyncadd.s32 $0xFFFFF800  }
0x97: {  	[spmem:s1] =	stream.indirect.scatter.add.f32 [tilespmem:s28], [sflag:$0x2], $0x10, s11, s17, $0xb8;
	[tilespmem:$0x8510] =	vst v63  }
0x98: {  	_ =	swait.ge [sflag:s31], $0x800  }
0x99: {  	[sflag:s31] =	ssyncset.done $0x0  }
0x9a: {  	[sflag:s31] =	ssyncadd.s32 $0xFFFFF800  }
0x9b: {  	[spmem:s1] =	stream.indirect.scatter.add.f32 [tilespmem:s30], [sflag:$0x2], $0x10, s5, s17, $0xb8;
	[tilespmem:$0x8510] =	vst v63  }
0x9c: {  	_ =	swait.ge [sflag:s15], $0x800  }
0x9d: {  	[sflag:s15] =	ssyncset.done $0x0  }
0x9e: {  	[sflag:s15] =	ssyncadd.s32 $0xFFFFF800  }
0x9f: {  	_ =	swait.ge [sflag:s15], $0x800  }
0xa0: {  	[sflag:s15] =	ssyncset.done $0x0  }
0xa1: {  	[sflag:s15] =	ssyncadd.s32 $0xFFFFF800  }
0xa2: {  	_ =	swait.ge [sflag:s15], $0x800  }
0xa3: {  	[sflag:s15] =	ssyncset.done $0x0  }
0xa4: {  	[sflag:s15] =	ssyncadd.s32 $0xFFFFF800  }
0xa5: {  	_ =	swait.ge [sflag:s15], $0x800  }
0xa6: {  	[sflag:s15] =	ssyncset.done $0x0  }
0xa7: {  	[sflag:s15] =	ssyncadd.s32 $0xFFFFF800  }
.Ltmp3:
0xa8: {  	_ =	swait.ge [sflag:s15], $0x800;
	(pc) =	sbr.rel @p3 .LBB2_6-.Ltmp3, $4  }
0xa9: {  	[sflag:s15] =	ssyncset.done $0x0  }
0xaa: {  	[sflag:s15] =	ssyncadd.s32 $0xFFFFF800  }
0xab: {  	_ =	swait.ge [sflag:s15], $0x800  }
0xac: {  	s8 =	smov.u32 s22;
	[sflag:s15] =	ssyncset.done $0x0  }
0xad: {  	s8 =	sadd.s32 s7, s10;
	[sflag:s15] =	ssyncadd.s32 $0xFFFFF800  }
0xae: {  	[tilespmem:s3], [sflag:$0x3] =	stream.linear.gather [hbm4b:s8+s3], $0x300, $0x38;
	[tilespmem:$0x8510] =	vst v63  }
0xaf: {  	_ =	swait.ge [sflag:s13], $0x300  }
0xb0: {  	[sflag:s13] =	ssyncset.done $0x0  }
0xb1: {  	s25 =	sadd.s32 s7, s9;
	[sflag:s13] =	ssyncadd.s32 $0xFFFFFD00  }
0xb2: {  	[tilespmem:s16], [sflag:$0x3] =	stream.linear.gather [hbm4b:s25+s3], $0x300, $0x38;
	[tilespmem:$0x8510] =	vst v63  }
0xb3: {  	_ =	swait.ge [sflag:s13], $0x300  }
0xb4: {  	[sflag:s13] =	ssyncset.done $0x0  }
0xb5: {  	[sflag:s13] =	ssyncadd.s32 $0xFFFFFD00  }
0xb6: {  	[tilespmem:s18], [sflag:$0x1] =	stream.indirect.gather [spmem:s2], $0x10, s3, s17, $0xb8;
	[tilespmem:$0x8510] =	vst v63  }
0xb7: {  	_ = 	snop  }
0xb8: {  	[tilespmem:s19], [sflag:$0x1] =	stream.indirect.gather [spmem:s2], $0x10, s17, s17, $0xb8;
	[tilespmem:$0x8510] =	vst v63  }
0xb9: {  	_ = 	snop  }
0xba: {  	[tilespmem:s21], [sflag:$0x1] =	stream.indirect.gather [spmem:s2], $0x10, s20, s17, $0xb8;
	[tilespmem:$0x8510] =	vst v63  }
0xbb: {  	_ = 	snop  }
0xbc: {  	[tilespmem:s24], [sflag:$0x1] =	stream.indirect.gather [spmem:s2], $0x10, s23, s17, $0xb8;
	[tilespmem:$0x8510] =	vst v63  }
0xbd: {  	_ = 	snop  }
0xbe: {  	[tilespmem:s28], [sflag:$0x1] =	stream.indirect.gather [spmem:s2], $0x10, s26, s17, $0xb8;
	[tilespmem:$0x8510] =	vst v63  }
0xbf: {  	_ = 	snop  }
0xc0: {  	[tilespmem:s30], [sflag:$0x1] =	stream.indirect.gather [spmem:s2], $0x10, s29, s17, $0xb8;
	[tilespmem:$0x8510] =	vst v63  }
0xc1: {  	_ =	swait.ge [sflag:s31], $0x800  }
0xc2: {  	[sflag:s31] =	ssyncset.done $0x0  }
0xc3: {  	[sflag:s31] =	ssyncadd.s32 $0xFFFFF800  }
0xc4: {  	[spmem:s1] =	stream.indirect.scatter.add.f32 [tilespmem:s18], [sflag:$0x2], $0x10, s16, s17, $0xb8;
	[tilespmem:$0x8510] =	vst v63  }
0xc5: {  	_ =	swait.ge [sflag:s31], $0x800  }
0xc6: {  	[sflag:s31] =	ssyncset.done $0x0  }
0xc7: {  	[sflag:s31] =	ssyncadd.s32 $0xFFFFF800  }
0xc8: {  	[spmem:s1] =	stream.indirect.scatter.add.f32 [tilespmem:s19], [sflag:$0x2], $0x10, s0, s17, $0xb8;
	[tilespmem:$0x8510] =	vst v63  }
0xc9: {  	_ =	swait.ge [sflag:s31], $0x800  }
0xca: {  	[sflag:s31] =	ssyncset.done $0x0  }
0xcb: {  	[sflag:s31] =	ssyncadd.s32 $0xFFFFF800  }
0xcc: {  	[spmem:s1] =	stream.indirect.scatter.add.f32 [tilespmem:s21], [sflag:$0x2], $0x10, s12, s17, $0xb8;
	[tilespmem:$0x8510] =	vst v63  }
0xcd: {  	_ =	swait.ge [sflag:s31], $0x800  }
0xce: {  	[sflag:s31] =	ssyncset.done $0x0  }
0xcf: {  	[sflag:s31] =	ssyncadd.s32 $0xFFFFF800  }
0xd0: {  	[spmem:s1] =	stream.indirect.scatter.add.f32 [tilespmem:s24], [sflag:$0x2], $0x10, s4, s17, $0xb8;
	[tilespmem:$0x8510] =	vst v63  }
0xd1: {  	_ =	swait.ge [sflag:s31], $0x800  }
0xd2: {  	[sflag:s31] =	ssyncset.done $0x0  }
0xd3: {  	[sflag:s31] =	ssyncadd.s32 $0xFFFFF800  }
0xd4: {  	[spmem:s1] =	stream.indirect.scatter.add.f32 [tilespmem:s28], [sflag:$0x2], $0x10, s11, s17, $0xb8;
	[tilespmem:$0x8510] =	vst v63  }
0xd5: {  	_ =	swait.ge [sflag:s31], $0x800  }
0xd6: {  	[sflag:s31] =	ssyncset.done $0x0  }
0xd7: {  	[sflag:s31] =	ssyncadd.s32 $0xFFFFF800  }
0xd8: {  	[spmem:s1] =	stream.indirect.scatter.add.f32 [tilespmem:s30], [sflag:$0x2], $0x10, s5, s17, $0xb8;
	[tilespmem:$0x8510] =	vst v63  }
0xd9: {  	_ =	swait.ge [sflag:s15], $0x800  }
0xda: {  	[sflag:s15] =	ssyncset.done $0x0  }
0xdb: {  	[sflag:s15] =	ssyncadd.s32 $0xFFFFF800  }
0xdc: {  	_ =	swait.ge [sflag:s15], $0x800  }
0xdd: {  	[sflag:s15] =	ssyncset.done $0x0  }
0xde: {  	[sflag:s15] =	ssyncadd.s32 $0xFFFFF800  }
0xdf: {  	_ =	swait.ge [sflag:s15], $0x800  }
0xe0: {  	[sflag:s15] =	ssyncset.done $0x0  }
0xe1: {  	[sflag:s15] =	ssyncadd.s32 $0xFFFFF800  }
0xe2: {  	_ =	swait.ge [sflag:s15], $0x800  }
0xe3: {  	[sflag:s15] =	ssyncset.done $0x0  }
0xe4: {  	[sflag:s15] =	ssyncadd.s32 $0xFFFFF800  }
0xe5: {  	_ =	swait.ge [sflag:s15], $0x800  }
0xe6: {  	[sflag:s15] =	ssyncset.done $0x0  }
0xe7: {  	[sflag:s15] =	ssyncadd.s32 $0xFFFFF800  }
0xe8: {  	_ =	swait.ge [sflag:s15], $0x800  }
0xe9: {  	[sflag:s15] =	ssyncset.done $0x0  }
0xea: {  	s7 =	simm.s32 @!p1 $0x0;
	s8 =	rddreg [dreg:$0x6];
	[sflag:s15] =	ssyncadd.s32 $0xFFFFF800  }
0xeb: {  	[tilespmem:s7], [sflag:$0x3] =	stream.linear.gather @!p1 [hbm4b:s8+s7], $0x80, $0x38;
	[tilespmem:$0x8510] =	vst v63  }
0xec: {  	s8 =	simm.s32 @!p1 $0x3  }
0xed: {  	_ =	swait.ge @!p1 [sflag:s8], $0x80  }
0xee: {  	[sflag:s8] =	ssyncset.done @!p1 $0x0  }
0xef: {  	s14 =	simm.s32 @!p1 $0x300;
	s22 =	rddreg [dreg:$0x7];
	[sflag:s8] =	ssyncadd.s32 @!p1 $0xFFFFFF80  }
0xf0: {  	[tilespmem:s14], [sflag:$0x3] =	stream.linear.gather @!p1 [hbm4b:s22+s7], $0x80, $0x38;
	[tilespmem:$0x8510] =	vst v63  }
0xf1: {  	_ =	swait.ge @!p1 [sflag:s8], $0x80  }
0xf2: {  	[sflag:s8] =	ssyncset.done @!p1 $0x0  }
0xf3: {  	s22 =	simm.s32 @!p1 $0x600;
	[sflag:s8] =	ssyncadd.s32 @!p1 $0xFFFFFF80;
	s8 =	simm.s32 @!p1 $0x80  }
0xf4: {  	[tilespmem:s22], [sflag:$0x1] =	stream.indirect.gather @!p1 [spmem:s2], $0x10, s7, s8, $0xb8;
	[tilespmem:$0x8510] =	vst v63  }
0xf5: {  	s7 =	simm.s32 @!p1 $0x1  }
0xf6: {  	_ =	swait.ge @!p1 [sflag:s7], $0x800  }
0xf7: {  	[sflag:s7] =	ssyncset.done @!p1 $0x0  }
0xf8: {  	[sflag:s7] =	ssyncadd.s32 @!p1 $0xFFFFF800;
	s7 =	simm.s32 @!p1 $0x2  }
0xf9: {  	[spmem:s1] =	stream.indirect.scatter.add.f32 @!p1 [tilespmem:s22], [sflag:$0x2], $0x10, s14, s8, $0xb8;
	[tilespmem:$0x8510] =	vst v63  }
0xfa: {  	_ =	swait.ge @!p1 [sflag:s7], $0x800  }
0xfb: {  	[sflag:s7] =	ssyncset.done @!p1 $0x0  }
0xfc: {  	[sflag:s7] =	ssyncadd.s32 @!p1 $0xFFFFF800  }
0xfd: {  	[bflag:$0x0] =	sbarrier.arrive $0xFFFF  }
0xfe: {  	s8 =	rddreg [dreg:$0xa]  }
0xff: {  	s14 =	rddreg [dreg:$0xc]  }
0x100: {  	s22 =	rddreg [dreg:$0xd]  }
0x101: {  	[hbm:s14], [sflag:s8] =	dma.local [spmem:s22], $0x500  }
0x102: {  	_ =	swait.ge [sflag:s13], $0x500  }
0x103: {  	s6 =	sadd.s32 $0x1, s6;
	s25 =	rddreg [dreg:$0x8]  }
0x104: {  	p3 =	sne.s32 s6, s25  }
.Ltmp4:
0x105: {  	_ = 	snop;
	(pc) =	sbr.rel @p3 .LBB2_1-.Ltmp4, $3  }
0x106: {  	_ =	sdelay $0x1  }
0x107: {  	[sflag:s13] =	ssyncset.done $0x0  }
0x108: {  	[sflag:s13] =	ssyncadd.s32 $0xFFFFFB00  }
0x109: {  	_ =	sfence.sel $0x180000  }
0x10a: {  	[bflag:$0x0] =	sbarrier.arrive $0xFFFF  }
0x10b: {  	_ =	strace $0x9000004A  }
0x10c: {  	[bflag:$0x2] =	sbarrier.arrive $0xFFFF  }
0x10d: {  	s0 =	rddreg [dreg:$0x3]  }
0x10e: {  	s0 =	sadd.s32 @!p0 $0x100000, s0  }
0x10f: {  	[sflag:s0] =	ssyncadd.tile.s32 @!p0 $0x1;
	_ =	shalt  }
.Lfunc_end2:
_tile_overlayer_lowered:
.L_overlay_start_2:
0x110: {  	(tag) =	ssettag $0x2  }
0x111: {  	s0 =	rddreg [dreg:$0x0];
	s2 =	stileid.u32  }
0x112: {  	s1 =	rddreg [dreg:$0x1];
	p0 =	sne.s32 s2, $0x0  }
0x113: {  	s3 =	rddreg [dreg:$0x2];
	[bflag:$0x3] =	sbarrier.arrive $0xFFFF;
	s2 =	simm.s32 @!p0 $0x1C03  }
0x114: {  	[timem:s3], [sflag:s2] =	dma.local @!p0 [hbm:s0], s1  }
0x115: {  	s0 =	simm.s32 @!p0 $0x3  }
0x116: {  	_ =	swait.ge @!p0 [sflag:s0], s1  }
0x117: {  	s1 =	ssub.s32 @!p0 $0x0, s1;
	[sflag:s0] =	ssyncset.done @!p0 $0x0  }
0x118: {  	[sflag:s0] =	ssyncadd.s32 @!p0 s1  }
0x119: {  	[bflag:$0x3] =	sbarrier.arrive $0xFFFF  }
0x11a: {  	_ =	shalt  }

// kernel: kernel.7.cloned.1.call-start
scs
__scs_entry_jumppad:
0x0: {  	(pc) =	sbr.rel $0x88, $3  }
0x1: {  	(tag) =	ssettag $0x0;
	lr =	simm.s32 $0x1  }
0x2: {  	[smem:$0x3F94] =	sst lr;
	_ =	strace $0xD0000000  }
0x3: {  	_ = 	snop  }
0x4: {  	_ = 	snop  }
0x5: {  	_ = 	snop  }
0x6: {  	_ = 	snop  }
0x7: {  	_ = 	snop  }
__scs_overlays_trampoline_lowered:
0x8: {  	[smem:$0x3FA3] =	sst s0  }
0x9: {  	[smem:$0x3FA4] =	sst s1  }
0xa: {  	[smem:$0x3FA5] =	sst s2  }
0xb: {  	[smem:$0x3FA6] =	sst s3  }
0xc: {  	[smem:$0x3FA7] =	sst s4  }
0xd: {  	[smem:$0x3FA8] =	sst s5  }
0xe: {  	[smem:$0x3FA9] =	sst s6  }
0xf: {  	[smem:$0x3FAA] =	sst s7  }
0x10: {  	[smem:$0x3FAB] =	sst s8  }
0x11: {  	[smem:$0x3FAC] =	sst s9;
	s0 =	simm.s32 @!p0 $0x0  }
0x12: {  	s1 =	sld [smem:$0x3F92];
	s0 =	simm.s32 @p0 $0x1  }
0x13: {  	[smem:$0x3FAD] =	sst s0;
	s0 =	simm.s32 @!p1 $0x0  }
0x14: {  	s2 =	sld [smem:$0x3F91];
	s0 =	simm.s32 @p1 $0x1  }
0x15: {  	[smem:$0x3FAE] =	sst s0;
	s0 =	simm.s32 @!p2 $0x0  }
0x16: {  	s3 =	sld [smem:$0x3FDB];
	s0 =	simm.s32 @p2 $0x1  }
0x17: {  	s4 =	simm.s32 $0x1BF5;
	[smem:$0x3FB0] =	sst s0  }
0x18: {  	s0 =	sld [smem:$0x3F93];
	_ =	swait.ge [sflag:s4], $0x0  }
0x19: {  	s7 =	sld [smem:$0x3F94]  }
0x1a: {  	s8 =	sadd.s32 $0xFFFFE003, lr  }
0x1b: {  	s9 =	sadd.s32 $0xFFFFFEF7, lr;
	s5 =	simm.s32 $0xFFFFFFFF;
	p2 =	slt.u32 s8, $0xFFFFF086  }
0x1c: {  	p1 =	slt.u32 s9, $0xF7A;
	s5 =	simm.s32 @!p2 $0x0  }
0x1d: {  	s5 =	simm.s32 @p1 $0x1;
	p0 =	seq.s32 s7, s2  }
0x1e: {  	s7 =	smul.u32 @!p0 $0xF7A, s2;
	p2 =	seq.s32 @!p0 s5, $0x0  }
0x1f: {  	s9 =	smul.u32 $0xF7A, s1;
	s8 =	simm.s32 @!p0 $0x1BF5;
	p2 =	por !p2, p0  }
0x20: {  	[sflag:s8] =	ssyncset.s32 @!p0 $0xFFFFF086;
	s6 =	sadd.s32 @!p0 s3, s7;
	s7 =	simm.s32 @!p0 $0x108  }
0x21: {  	s3 =	sadd.s32 s3, s9;
	s6 =	sadd.s32 @!p0 $0x88, s6;
	s7 =	simm.s32 @p2 $0x1082  }
0x22: {  	[simem:s7], [sflag:s8] =	dma.local @!p0 [hbm:s6], $0xF7A  }
0x23: {  	s9 =	sor.u32 $0xD0000000, s2;
	s6 =	simm.s32 $0x108;
	_ =	swait.ge @!p0 [sflag:s8], $0x0  }
0x24: {  	s3 =	sadd.s32 $0x88, s3;
	s6 =	simm.s32 @!p1 $0x1082;
	[sflag:s4] =	ssyncset.s32 $0xFFFFF086  }
0x25: {  	[simem:s6], [sflag:s4] =	dma.local [hbm:s3], $0xF7A  }
0x26: {  	[smem:$0x3F94] =	sst s1;
	(tag) =	ssettag s2;
	_ =	strace s9  }
0x27: {  	s1 =	sld [smem:$0x3FA4]  }
0x28: {  	s2 =	sld [smem:$0x3FA5]  }
0x29: {  	s4 =	sld [smem:$0x3FA7]  }
0x2a: {  	p0 =	seq.s32 s5, $0x0;
	s5 =	sld [smem:$0x3FA8]  }
0x2b: {  	s6 =	sld [smem:$0x3FA9]  }
0x2c: {  	s7 =	sld [smem:$0x3FAA]  }
0x2d: {  	s3 =	simm.s32 $0x108;
	s8 =	sld [smem:$0x3FAB]  }
0x2e: {  	s3 =	simm.s32 @!p0 $0x1082;
	s9 =	sld [smem:$0x3FAC]  }
0x2f: {  	lr =	sadd.s32 s0, s3;
	s0 =	sld [smem:$0x3FA3]  }
0x30: {  	s3 =	sld [smem:$0x3FA6]  }
0x31: {  	[smem:$0x3FAF] =	sst s10  }
0x32: {  	s10 =	sld [smem:$0x3FAD];
	_ =	sdelay $0x3  }
0x33: {  	p0 =	seq.s32 s10, $0x1;
	s10 =	sld [smem:$0x3FAF];
	_ =	sdelay $0x3  }
0x34: {  	[smem:$0x3FAF] =	sst s10  }
0x35: {  	s10 =	sld [smem:$0x3FAE];
	_ =	sdelay $0x3  }
0x36: {  	p1 =	seq.s32 s10, $0x1;
	s10 =	sld [smem:$0x3FAF];
	_ =	sdelay $0x3  }
0x37: {  	[smem:$0x3FAF] =	sst s10  }
0x38: {  	s10 =	sld [smem:$0x3FB0]  }
0x39: {  	_ = 	snop;
	(pc) =	sbr.ind lr, $3  }
0x3a: {  	_ = 	snop  }
0x3b: {  	_ = 	snop  }
0x3c: {  	p2 =	seq.s32 s10, $0x1;
	s10 =	sld [smem:$0x3FAF]  }
0x3d: {  	_ =	shalt  }
0x3e: {  	_ =	shalt  }
0x3f: {  	_ =	shalt  }
0x40: {  	_ =	shalt  }
0x41: {  	_ =	shalt  }
0x42: {  	_ =	shalt  }
0x43: {  	_ =	shalt  }
0x44: {  	_ =	shalt  }
0x45: {  	_ =	shalt  }
0x46: {  	_ =	shalt  }
0x47: {  	_ =	shalt  }
0x48: {  	_ =	shalt  }
0x49: {  	_ =	shalt  }
0x4a: {  	_ =	shalt  }
0x4b: {  	_ =	shalt  }
0x4c: {  	_ =	shalt  }
0x4d: {  	_ =	shalt  }
0x4e: {  	_ =	shalt  }
0x4f: {  	_ =	shalt  }
0x50: {  	_ =	shalt  }
0x51: {  	_ =	shalt  }
0x52: {  	_ =	shalt  }
0x53: {  	_ =	shalt  }
0x54: {  	_ =	shalt  }
0x55: {  	_ =	shalt  }
0x56: {  	_ =	shalt  }
0x57: {  	_ =	shalt  }
0x58: {  	_ =	shalt  }
0x59: {  	_ =	shalt  }
0x5a: {  	_ =	shalt  }
0x5b: {  	_ =	shalt  }
0x5c: {  	_ =	shalt  }
0x5d: {  	_ =	shalt  }
0x5e: {  	_ =	shalt  }
0x5f: {  	_ =	shalt  }
0x60: {  	_ =	shalt  }
0x61: {  	_ =	shalt  }
0x62: {  	_ =	shalt  }
0x63: {  	_ =	shalt  }
0x64: {  	_ =	shalt  }
0x65: {  	_ =	shalt  }
0x66: {  	_ =	shalt  }
0x67: {  	_ =	shalt  }
0x68: {  	_ =	shalt  }
0x69: {  	_ =	shalt  }
0x6a: {  	_ =	shalt  }
0x6b: {  	_ =	shalt  }
0x6c: {  	_ =	shalt  }
0x6d: {  	_ =	shalt  }
0x6e: {  	_ =	shalt  }
0x6f: {  	_ =	shalt  }
0x70: {  	_ =	shalt  }
0x71: {  	_ =	shalt  }
0x72: {  	_ =	shalt  }
0x73: {  	_ =	shalt  }
0x74: {  	_ =	shalt  }
0x75: {  	_ =	shalt  }
0x76: {  	_ =	shalt  }
0x77: {  	_ =	shalt  }
0x78: {  	_ =	shalt  }
0x79: {  	_ =	shalt  }
0x7a: {  	_ =	shalt  }
0x7b: {  	_ =	shalt  }
0x7c: {  	_ =	shalt  }
0x7d: {  	_ =	shalt  }
0x7e: {  	_ =	shalt  }
0x7f: {  	_ =	shalt  }
0x80: {  	_ =	shalt  }
0x81: {  	_ =	shalt  }
0x82: {  	_ =	shalt  }
0x83: {  	_ =	shalt  }
0x84: {  	_ =	shalt  }
0x85: {  	_ =	shalt  }
0x86: {  	_ =	shalt  }
0x87: {  	_ =	shalt  }
.Lfunc_end0:
.L_simem_size_0:
called_computation_lowered:
.L_overlay_start_0:
0x88: {  	s2 =	sld [smem:$0x3FD9]  }
0x89: {  	s3 =	sld [smem:$0x3FFE];
	_ =	sdelay $0x1  }
0x8a: {  	s1 =	srdreg.scid  }
0x8b: {  	s0 =	sand.u32 $0x1, s1  }
0x8c: {  	s16 =	sshll.u32 s0, $0xA;
	s2 =	sadd.s32 s3, s2  }
0x8d: {  	s2 =	sadd.s32 s2, s16  }
0x8e: {  	[smem:$0x3FBB] =	sst s2  }
0x8f: {  	_ = 	snop  }
0x90: {  	(tm) =	ssettm $0x1  }
0x91: {  	s17 =	sld [smem:$0x3FFB];
	_ =	sdelay $0x3  }
0x92: {  	_ =	strace s17  }
0x93: {  	s2 =	sld [smem:$0x3FFC];
	_ =	sdelay $0x3  }
0x94: {  	_ =	strace s2  }
0x95: {  	s2 =	sld [smem:$0x3FFD];
	_ =	sdelay $0x3  }
0x96: {  	_ =	strace s2  }
0x97: {  	_ =	strace $0x8FFFFFFF  }
0x98: {  	s18 =	sld [smem:$0x3FDB];
	_ =	sdelay $0x1  }
0x99: {  	s19 =	simm.s32 $_scs_section_size  }
0x9a: {  	s4 =	simm.s32 $_size__tile_overlayer_lowered;
	s5 =	simm.s32 $_tile_overlayer_lowered  }
0x9b: {  	s22 =	simm.s32 $0x1BFF;
	s21 =	sshll.u32 s5, $0x1;
	s2 =	sadd.s32 s19, s18  }
0x9c: {  	s6 =	simm.s32 $0x0;
	s20 =	sshll.u32 s4, $0x1;
	s4 =	sadd.s32 s21, s2  }
0x9d: {  	[timem:s6], [sflag:s22] =	dma.local [hbm:s4], s20  }
0x9e: {  	_ =	swait.ge [sflag:s22], s20  }
0x9f: {  	s3 =	ssub.s32 $0x0, s20;
	[sflag:s22] =	ssyncset.done $0x0  }
0xa0: {  	[sflag:s22] =	ssyncadd.s32 s3;
	_ =	sdelay $0x1  }
0xa1: {  	s23 =	simm.s32 $0x1B8B  }
0xa2: {  	_ =	swait.ge [sflag:s23], $0x1  }
0xa3: {  	[sflag:s23] =	ssyncset.done $0x0  }
0xa4: {  	s25 =	simm.s32 $0x1B8E;
	s24 =	sld [smem:$0x3FFE];
	[sflag:s23] =	ssyncadd.s32 $0xFFFFFFFF  }
0xa5: {  	s26 =	simm.s32 $execute0_lowered;
	[smem:$0x3FD2] =	sst s25  }
0xa6: {  	s4 =	sshll.u32 s26, $0x1;
	_ =	strace $0x80000046;
	[dreg:$0x1] =	wrdreg $0xFFFFFFFF  }
0xa7: {  	s28 =	simm.s32 $_size_execute0_lowered;
	s2 =	sadd.s32 s2, s4;
	[dreg:$0x0] =	wrdreg $0x0  }
0xa8: {  	s4 =	sshll.u32 s28, $0x1;
	[dreg:$0x2] =	wrdreg s2  }
0xa9: {  	[dreg:$0x3] =	wrdreg s4  }
0xaa: {  	[dreg:$0x4] =	wrdreg $0xC0  }
0xab: {  	_ =	task [dreg:s6], $0x5FFFF  }
0xac: {  	[dreg:$0x1] =	wrdreg $0xFFFFFFFF  }
0xad: {  	[dreg:$0x0] =	wrdreg $0x60  }
0xae: {  	[dreg:$0x2] =	wrdreg s24  }
0xaf: {  	[dreg:$0x3] =	wrdreg $0x33000  }
0xb0: {  	[dreg:$0x4] =	wrdreg $0x9  }
0xb1: {  	_ =	task.clear_ibuf [dreg:s6], $0x5FFFF;
	_ =	strace $0x90000046  }
0xb2: {  	s29 =	simm.s32 $0x9;
	_ =	strace $0x80000048  }
0xb3: {  	_ =	swait.ge [sflag:s29], $0x1  }
0xb4: {  	[sflag:s29] =	ssyncadd.s32 $0xFFFFFFFF  }
0xb5: {  	_ =	strace $0x90000048  }
0xb6: {  	_ =	sfence  }
0xb7: {  	s30 =	sld [smem:$0x0];
	_ =	sdelay $0x2  }
0xb8: {  	s31 =	sshll.u32 s1, $0xD;
	s1 =	sshrl.u32 s1, $0x2  }
0xb9: {  	s3 =	sand.u32 $0x4000, s31;
	s1 =	sadd.s32 s1, s30  }
0xba: {  	s0 =	sor.u32 s3, s0;
	s1 =	sshll.u32 s1, $0x11  }
0xbb: {  	s0 =	sor.u32 s1, s0  }
0xbc: {  	s0 =	sadd.s32 $0x8F2B, s0  }
0xbd: {  	[sflag:s0] =	ssyncadd.remote.s32 $0x1  }
0xbe: {  	_ =	sfence.sel $0xFFFF  }
0xbf: {  	[dreg:$0x0] =	wrdreg $0xFFFFFFFF;
	(pc) =	sbr.abs _section_cstart, $3  }
0xc0: {  	[dreg:$0x1] =	wrdreg $0xFFFFFFFF  }
0xc1: {  	_ =	task.clear_ibuf [dreg:s6], $0x2FFFF;
	_ =	strace $0x9FFFFFFF  }
0xc2: {  	(tm) =	ssettm $0x7FFFFFFF  }
0xc3: {  	_ =	shalt  }
tec
execute0_lowered:
.L_overlay_start_1:
0x0: {  	(tag) =	ssettag $0x1  }
0x1: {  	s5 =	rddreg [dreg:$0x0]  }
0x2: {  	s1 =	rddreg [dreg:$0x1]  }
0x3: {  	s2 =	simm.s32 $0x0;
	s3 =	srdreg.scid;
	s4 =	stileid.u32  }
0x4: {  	s15 =	simm.s32 $0x100;
	s16 =	simm.s32 $0x1300;
	s17 =	simm.s32 $0x180  }
0x5: {  	s18 =	simm.s32 $0x1B00;
	s19 =	simm.s32 $0x200;
	s20 =	simm.s32 $0x2300  }
0x6: {  	s21 =	simm.s32 $0x280;
	[smem:$0x7FF] =	sst s2;
	s13 =	smul.u32 $0x2800, s4  }
0x7: {  	s8 =	sadd.s32 $0x1F000, s5;
	s7 =	sand.u32 $0x1, s3;
	s29 =	smul.u32 $0x4E00, s4  }
0x8: {  	s9 =	sadd.s32 $0x15200, s5;
	s3 =	sadd.s32 $0xBB400, s5;
	s31 =	smul.u32 $0x4E0, s4  }
0x9: {  	s24 =	sshll.u32 s4, $0x7;
	p0 =	sne.s32 s4, $0x0;
	s6 =	smul.u32 $0x5000, s7  }
0xa: {  	_ =	strace $0x80000047;
	s10 =	ssub.s32 $0x2, s7;
	s14 =	smul.u32 $0x4E000, s7  }
0xb: {  	s25 =	sshll.u32 s7, $0x4;
	s26 =	sor.u32 $0x4E000, s24;
	s30 =	smul.u32 $0x4E00, s7  }
0xc: {  	s11 =	sshrl.u32 s10, $0x1;
	s22 =	sor.u32 s4, s25;
	s28 =	sshll.u32 s26, $0x1  }
0xd: {  	s24 =	sshrl.u32 s13, $0x3;
	s25 =	sadd.s32 s13, s1;
	s13 =	simm.s32 $0x80  }
0xe: {  	s12 =	sadd.s32 s6, s5;
	s10 =	ssub.s32 s10, s11;
	s5 =	sshrl.u32 s26, $0x3  }
0xf: {  	s6 =	sadd.s32 s8, s28;
	s8 =	sadd.s32 s14, s8;
	s11 =	simm.s32 $0x2  }
0x10: {  	s14 =	simm.s32 $0xB00;
	p1 =	sgt.u32 s22, $0x3;
	s22 =	simm.s32 $0x2B00  }
0x11: {  	s25 =	sshrl.u32 s25, $0x3;
	s26 =	simm.s32 $0x0;
	s5 =	sadd.s32 s9, s5  }
0x12: {  	s23 =	sadd.s32 $0xC0400, s12;
	s7 =	smax.u32 s10, $0x1;
	s9 =	sadd.s32 s30, s9  }
0x13: {  	s8 =	sadd.s32 s29, s8;
	s10 =	sshrl.u32 @!p0 s1, $0x3;
	s12 =	simm.s32 $0x300  }
0x14: {  	s9 =	sadd.s32 s31, s9;
	s23 =	sadd.s32 s24, s23;
	s24 =	simm.s32 $0x1  }
.LBB2_1:
0x15: {  	s28 =	simm.s32 @!p0 $0x1C02  }
0x16: {  	[spmem:s10], [sflag:s28] =	dma.local @!p0 [hbm:s3], $0x5000  }
0x17: {  	s28 =	simm.s32 @!p0 $0x2  }
0x18: {  	_ =	swait.ge @!p0 [sflag:s28], $0x5000  }
0x19: {  	[sflag:s28] =	ssyncset.done @!p0 $0x0  }
0x1a: {  	[sflag:s28] =	ssyncadd.s32 @!p0 $0xFFFFB000  }
0x1b: {  	s28 =	sadd.s32 $0x0, s9;
	[bflag:$0x0] =	sbarrier.arrive $0xFFFF  }
0x1c: {  	[tilespmem:s2], [sflag:$0x2] =	stream.linear.gather [hbm4b:s28+s2], $0x300, $0x38;
	[tilespmem:$0x5B00] =	vst v63  }
0x1d: {  	_ =	swait.ge [sflag:s11], $0x300  }
0x1e: {  	[sflag:s11] =	ssyncset.done $0x0  }
0x1f: {  	[sflag:s11] =	ssyncadd.s32 $0xFFFFFD00  }
0x20: {  	[tilespmem:s12], [sflag:$0x2] =	stream.linear.gather [hbm4b:s8+s2], $0x3000, $0x38;
	[tilespmem:$0x5B00] =	vst v63  }
0x21: {  	_ =	swait.ge [sflag:s11], $0x3000  }
0x22: {  	[sflag:s11] =	ssyncset.done $0x0  }
0x23: {  	[sflag:s11] =	ssyncadd.s32 $0xFFFFD000  }
0x24: {  	[spmem:s1] =	stream.indirect.scatter.add.f32 [tilespmem:s12], [sflag:$0x1], $0x10, s2, s13, $0xb8;
	[tilespmem:$0x5B00] =	vst v63  }
0x25: {  	_ = 	snop  }
0x26: {  	[spmem:s1] =	stream.indirect.scatter.add.f32 [tilespmem:s14], [sflag:$0x1], $0x10, s13, s13, $0xb8;
	[tilespmem:$0x5B00] =	vst v63  }
0x27: {  	_ = 	snop  }
0x28: {  	[spmem:s1] =	stream.indirect.scatter.add.f32 [tilespmem:s16], [sflag:$0x1], $0x10, s15, s13, $0xb8;
	[tilespmem:$0x5B00] =	vst v63  }
0x29: {  	_ = 	snop  }
0x2a: {  	[spmem:s1] =	stream.indirect.scatter.add.f32 [tilespmem:s18], [sflag:$0x1], $0x10, s17, s13, $0xb8;
	[tilespmem:$0x5B00] =	vst v63  }
0x2b: {  	_ = 	snop  }
0x2c: {  	[spmem:s1] =	stream.indirect.scatter.add.f32 [tilespmem:s20], [sflag:$0x1], $0x10, s19, s13, $0xb8;
	[tilespmem:$0x5B00] =	vst v63  }
0x2d: {  	_ = 	snop  }
0x2e: {  	[spmem:s1] =	stream.indirect.scatter.add.f32 [tilespmem:s22], [sflag:$0x1], $0x10, s21, s13, $0xb8;
	[tilespmem:$0x5B00] =	vst v63  }
0x2f: {  	_ =	swait.ge [sflag:s24], $0x800  }
0x30: {  	[sflag:s24] =	ssyncset.done $0x0  }
0x31: {  	[sflag:s24] =	ssyncadd.s32 $0xFFFFF800  }
0x32: {  	_ =	swait.ge [sflag:s24], $0x800  }
0x33: {  	[sflag:s24] =	ssyncset.done $0x0  }
0x34: {  	[sflag:s24] =	ssyncadd.s32 $0xFFFFF800  }
0x35: {  	_ =	swait.ge [sflag:s24], $0x800  }
0x36: {  	[sflag:s24] =	ssyncset.done $0x0  }
0x37: {  	[sflag:s24] =	ssyncadd.s32 $0xFFFFF800  }
0x38: {  	_ =	swait.ge [sflag:s24], $0x800  }
0x39: {  	[sflag:s24] =	ssyncset.done $0x0  }
0x3a: {  	[sflag:s24] =	ssyncadd.s32 $0xFFFFF800  }
0x3b: {  	_ =	swait.ge [sflag:s24], $0x800  }
0x3c: {  	[sflag:s24] =	ssyncset.done $0x0  }
0x3d: {  	[sflag:s24] =	ssyncadd.s32 $0xFFFFF800  }
0x3e: {  	s29 =	simm.s32 $0x60;
	_ =	swait.ge [sflag:s24], $0x800  }
0x3f: {  	s31 =	simm.s32 $0xC0;
	s28 =	sadd.s32 $0x600, s8;
	[sflag:s24] =	ssyncset.done $0x0  }
.LBB2_2:
0x40: {  	s0 =	sadd.s32 s29, s9  }
0x41: {  	[sflag:s24] =	ssyncadd.s32 $0xFFFFF800;
	s29 =	smov.u32 s31;
	s30 =	sadd.s32 $0x60, s31  }
0x42: {  	[tilespmem:s2], [sflag:$0x2] =	stream.linear.gather [hbm4b:s0+s2], $0x300, $0x38;
	[tilespmem:$0x5B00] =	vst v63  }
0x43: {  	p2 =	sne.s32 s31, $0x480;
	_ =	swait.ge [sflag:s11], $0x300  }
0x44: {  	[sflag:s11] =	ssyncset.done $0x0  }
0x45: {  	[sflag:s11] =	ssyncadd.s32 $0xFFFFFD00  }
0x46: {  	[tilespmem:s12], [sflag:$0x2] =	stream.linear.gather [hbm4b:s28+s2], $0x3000, $0x38;
	[tilespmem:$0x5B00] =	vst v63  }
0x47: {  	_ =	swait.ge [sflag:s11], $0x3000  }
0x48: {  	[sflag:s11] =	ssyncset.done $0x0  }
0x49: {  	[sflag:s11] =	ssyncadd.s32 $0xFFFFD000  }
0x4a: {  	[spmem:s1] =	stream.indirect.scatter.add.f32 [tilespmem:s12], [sflag:$0x1], $0x10, s2, s13, $0xb8;
	[tilespmem:$0x5B00] =	vst v63  }
0x4b: {  	_ = 	snop  }
0x4c: {  	[spmem:s1] =	stream.indirect.scatter.add.f32 [tilespmem:s14], [sflag:$0x1], $0x10, s13, s13, $0xb8;
	[tilespmem:$0x5B00] =	vst v63  }
0x4d: {  	_ = 	snop  }
0x4e: {  	[spmem:s1] =	stream.indirect.scatter.add.f32 [tilespmem:s16], [sflag:$0x1], $0x10, s15, s13, $0xb8;
	[tilespmem:$0x5B00] =	vst v63  }
0x4f: {  	_ = 	snop  }
0x50: {  	[spmem:s1] =	stream.indirect.scatter.add.f32 [tilespmem:s18], [sflag:$0x1], $0x10, s17, s13, $0xb8;
	[tilespmem:$0x5B00] =	vst v63  }
0x51: {  	_ = 	snop  }
0x52: {  	[spmem:s1] =	stream.indirect.scatter.add.f32 [tilespmem:s20], [sflag:$0x1], $0x10, s19, s13, $0xb8;
	[tilespmem:$0x5B00] =	vst v63  }
0x53: {  	_ = 	snop  }
0x54: {  	[spmem:s1] =	stream.indirect.scatter.add.f32 [tilespmem:s22], [sflag:$0x1], $0x10, s21, s13, $0xb8;
	[tilespmem:$0x5B00] =	vst v63  }
0x55: {  	_ =	swait.ge [sflag:s24], $0x800  }
0x56: {  	[sflag:s24] =	ssyncset.done $0x0  }
0x57: {  	[sflag:s24] =	ssyncadd.s32 $0xFFFFF800  }
0x58: {  	_ =	swait.ge [sflag:s24], $0x800  }
0x59: {  	[sflag:s24] =	ssyncset.done $0x0  }
0x5a: {  	[sflag:s24] =	ssyncadd.s32 $0xFFFFF800  }
0x5b: {  	_ =	swait.ge [sflag:s24], $0x800  }
0x5c: {  	[sflag:s24] =	ssyncset.done $0x0  }
0x5d: {  	[sflag:s24] =	ssyncadd.s32 $0xFFFFF800  }
0x5e: {  	_ =	swait.ge [sflag:s24], $0x800  }
0x5f: {  	[sflag:s24] =	ssyncset.done $0x0  }
0x60: {  	[sflag:s24] =	ssyncadd.s32 $0xFFFFF800  }
.Ltmp0:
0x61: {  	_ =	swait.ge [sflag:s24], $0x800;
	(pc) =	sbr.rel @p2 .LBB2_2-.Ltmp0, $4  }
0x62: {  	[sflag:s24] =	ssyncset.done $0x0  }
0x63: {  	[sflag:s24] =	ssyncadd.s32 $0xFFFFF800  }
0x64: {  	_ =	swait.ge [sflag:s24], $0x800  }
0x65: {  	s31 =	smov.u32 s30;
	s28 =	sadd.s32 $0x600, s28;
	[sflag:s24] =	ssyncset.done $0x0  }
0x66: {  	s0 =	sadd.s32 s29, s9;
	[sflag:s24] =	ssyncadd.s32 $0xFFFFF800  }
0x67: {  	[tilespmem:s2], [sflag:$0x2] =	stream.linear.gather [hbm4b:s0+s2], $0x300, $0x38;
	[tilespmem:$0x5B00] =	vst v63  }
0x68: {  	_ =	swait.ge [sflag:s11], $0x300  }
0x69: {  	[sflag:s11] =	ssyncset.done $0x0  }
0x6a: {  	[sflag:s11] =	ssyncadd.s32 $0xFFFFFD00  }
0x6b: {  	[tilespmem:s12], [sflag:$0x2] =	stream.linear.gather [hbm4b:s28+s2], $0x3000, $0x38;
	[tilespmem:$0x5B00] =	vst v63  }
0x6c: {  	_ =	swait.ge [sflag:s11], $0x3000  }
0x6d: {  	[sflag:s11] =	ssyncset.done $0x0  }
0x6e: {  	[sflag:s11] =	ssyncadd.s32 $0xFFFFD000  }
0x6f: {  	[spmem:s1] =	stream.indirect.scatter.add.f32 [tilespmem:s12], [sflag:$0x1], $0x10, s2, s13, $0xb8;
	[tilespmem:$0x5B00] =	vst v63  }
0x70: {  	_ = 	snop  }
0x71: {  	[spmem:s1] =	stream.indirect.scatter.add.f32 [tilespmem:s14], [sflag:$0x1], $0x10, s13, s13, $0xb8;
	[tilespmem:$0x5B00] =	vst v63  }
0x72: {  	_ = 	snop  }
0x73: {  	[spmem:s1] =	stream.indirect.scatter.add.f32 [tilespmem:s16], [sflag:$0x1], $0x10, s15, s13, $0xb8;
	[tilespmem:$0x5B00] =	vst v63  }
0x74: {  	_ = 	snop  }
0x75: {  	[spmem:s1] =	stream.indirect.scatter.add.f32 [tilespmem:s18], [sflag:$0x1], $0x10, s17, s13, $0xb8;
	[tilespmem:$0x5B00] =	vst v63  }
0x76: {  	_ = 	snop  }
0x77: {  	[spmem:s1] =	stream.indirect.scatter.add.f32 [tilespmem:s20], [sflag:$0x1], $0x10, s19, s13, $0xb8;
	[tilespmem:$0x5B00] =	vst v63  }
0x78: {  	_ = 	snop  }
0x79: {  	[spmem:s1] =	stream.indirect.scatter.add.f32 [tilespmem:s22], [sflag:$0x1], $0x10, s21, s13, $0xb8;
	[tilespmem:$0x5B00] =	vst v63  }
0x7a: {  	_ =	swait.ge [sflag:s24], $0x800  }
0x7b: {  	[sflag:s24] =	ssyncset.done $0x0  }
0x7c: {  	[sflag:s24] =	ssyncadd.s32 $0xFFFFF800  }
0x7d: {  	_ =	swait.ge [sflag:s24], $0x800  }
0x7e: {  	[sflag:s24] =	ssyncset.done $0x0  }
0x7f: {  	[sflag:s24] =	ssyncadd.s32 $0xFFFFF800  }
0x80: {  	_ =	swait.ge [sflag:s24], $0x800  }
0x81: {  	[sflag:s24] =	ssyncset.done $0x0  }
0x82: {  	[sflag:s24] =	ssyncadd.s32 $0xFFFFF800  }
0x83: {  	_ =	swait.ge [sflag:s24], $0x800  }
0x84: {  	[sflag:s24] =	ssyncset.done $0x0  }
0x85: {  	[sflag:s24] =	ssyncadd.s32 $0xFFFFF800  }
0x86: {  	_ =	swait.ge [sflag:s24], $0x800  }
0x87: {  	[sflag:s24] =	ssyncset.done $0x0  }
0x88: {  	[sflag:s24] =	ssyncadd.s32 $0xFFFFF800  }
0x89: {  	_ =	swait.ge [sflag:s24], $0x800  }
0x8a: {  	[sflag:s24] =	ssyncset.done $0x0  }
0x8b: {  	s0 =	simm.s32 @!p1 $0x0;
	s28 =	simm.s32 @!p1 $0x2;
	[sflag:s24] =	ssyncadd.s32 $0xFFFFF800  }
0x8c: {  	[tilespmem:s0], [sflag:$0x2] =	stream.linear.gather @!p1 [hbm4b:s5+s0], $0x80, $0x38;
	[tilespmem:$0x5B00] =	vst v63  }
0x8d: {  	_ =	swait.ge @!p1 [sflag:s28], $0x80  }
0x8e: {  	[sflag:s28] =	ssyncset.done @!p1 $0x0  }
0x8f: {  	s29 =	simm.s32 @!p1 $0x300;
	[sflag:s28] =	ssyncadd.s32 @!p1 $0xFFFFFF80  }
0x90: {  	[tilespmem:s29], [sflag:$0x2] =	stream.linear.gather @!p1 [hbm4b:s6+s0], $0x800, $0x38;
	[tilespmem:$0x5B00] =	vst v63  }
0x91: {  	_ =	swait.ge @!p1 [sflag:s28], $0x800  }
0x92: {  	[sflag:s28] =	ssyncset.done @!p1 $0x0  }
0x93: {  	[sflag:s28] =	ssyncadd.s32 @!p1 $0xFFFFF800;
	s28 =	simm.s32 @!p1 $0x80  }
0x94: {  	[spmem:s1] =	stream.indirect.scatter.add.f32 @!p1 [tilespmem:s29], [sflag:$0x1], $0x10, s0, s28, $0xb8;
	[tilespmem:$0x5B00] =	vst v63  }
0x95: {  	s0 =	simm.s32 @!p1 $0x1  }
0x96: {  	_ =	swait.ge @!p1 [sflag:s0], $0x800  }
0x97: {  	s26 =	sadd.s32 $0x1, s26;
	[sflag:s0] =	ssyncset.done @!p1 $0x0  }
0x98: {  	s31 =	sshll.u32 s4, $0x6;
	p2 =	sne.s32 s26, s7;
	[sflag:s0] =	ssyncadd.s32 @!p1 $0xFFFFF800  }
.Ltmp1:
0x99: {  	s0 =	sor.u32 $0x1C02, s31;
	[bflag:$0x0] =	sbarrier.arrive $0xFFFF;
	(pc) =	sbr.rel @p2 .LBB2_1-.Ltmp1, $4  }
0x9a: {  	[hbm:s23], [sflag:s0] =	dma.local [spmem:s25], $0x500  }
0x9b: {  	_ =	swait.ge [sflag:s11], $0x500  }
0x9c: {  	[sflag:s11] =	ssyncset.done $0x0  }
0x9d: {  	[sflag:s11] =	ssyncadd.s32 $0xFFFFFB00  }
0x9e: {  	_ =	sfence.sel $0x180000  }
0x9f: {  	[bflag:$0x0] =	sbarrier.arrive $0xFFFF  }
0xa0: {  	_ =	strace $0x90000047  }
0xa1: {  	[bflag:$0x2] =	sbarrier.arrive $0xFFFF  }
0xa2: {  	s0 =	rddreg [dreg:$0x2]  }
0xa3: {  	s0 =	sadd.s32 @!p0 $0x100000, s0  }
0xa4: {  	[sflag:s0] =	ssyncadd.tile.s32 @!p0 $0x1;
	_ =	shalt  }
.Lfunc_end2:
_tile_overlayer_lowered:
.L_overlay_start_2:
0xa5: {  	(tag) =	ssettag $0x2  }
0xa6: {  	s0 =	rddreg [dreg:$0x0];
	s2 =	stileid.u32  }
0xa7: {  	s1 =	rddreg [dreg:$0x1];
	p0 =	sne.s32 s2, $0x0  }
0xa8: {  	s3 =	rddreg [dreg:$0x2];
	[bflag:$0x3] =	sbarrier.arrive $0xFFFF;
	s2 =	simm.s32 @!p0 $0x1C02  }
0xa9: {  	[timem:s3], [sflag:s2] =	dma.local @!p0 [hbm:s0], s1  }
0xaa: {  	s0 =	simm.s32 @!p0 $0x2  }
0xab: {  	_ =	swait.ge @!p0 [sflag:s0], s1  }
0xac: {  	s1 =	ssub.s32 @!p0 $0x0, s1;
	[sflag:s0] =	ssyncset.done @!p0 $0x0  }
0xad: {  	[sflag:s0] =	ssyncadd.s32 @!p0 s1  }
0xae: {  	[bflag:$0x3] =	sbarrier.arrive $0xFFFF  }
0xaf: {  	_ =	shalt  }

</sc_bundles>
